<compile_context>
chip_gen: v7x
topology: tpu7x:2x2x1
jax: 0.10.2.dev20260603
libtpu: 0.0.44.dev20260713+nightly
codegen_flags: <defaults>
</compile_context>

<pallas_src>
import functools

import jax
import jax.numpy as jnp
from jax import lax
from jax.experimental import pallas as pl
from jax.experimental.pallas import tpu as pltpu
from jax.experimental.pallas import tpu_sc as plsc

N1, N2 = 4096, 1024
D = 128
DA = 144
E1, E2 = 320000, 131072
NC, NS = 2, 16
NW = NC * NS
CHUNK = 128

NCH1 = 80
E1P = NW * NCH1 * CHUNK
T1_ROWS = 4096
ACC1_ROWS = 1152

NCH2 = 32
T2_ROWS = 1024
ACC2_ROWS = 1024


def _make_seg_sum(nch, table_rows, acc_rows, filter_below=None):
    rpt = acc_rows // NS
    mesh = plsc.VectorSubcoreMesh(core_axis_name="c", subcore_axis_name="s")
    filt = filter_below is not None

    nchs = nch + 2 if filt else nch
    scratch = [
        pltpu.VMEM((nchs, CHUNK), jnp.int32),
        pltpu.VMEM((nchs, CHUNK), jnp.int32),
        pltpu.VMEM((CHUNK, DA), jnp.float32),
        pltpu.VMEM((CHUNK, DA), jnp.float32),
        pltpu.VMEM_SHARED((acc_rows, DA), jnp.float32),
        pltpu.SemaphoreType.DMA,
        pltpu.SemaphoreType.DMA,
    ]

    @functools.partial(
        pl.kernel,
        mesh=mesh,
        compiler_params=pltpu.CompilerParams(
            use_tc_tiling_on_sc=False, needs_layout_passes=False),
        out_type=jax.ShapeDtypeStruct((NC, acc_rows, DA), jnp.float32),
        scratch_types=scratch,
    )
    def seg_kernel(table_hbm, edge_hbm, out_hbm,
                   src_v, dst_v, rows0, rows1, acc, sem, sem_s):
        cid = lax.axis_index("c")
        sid = lax.axis_index("s")
        wid = sid * NC + cid
        i32 = jnp.int32

        def _zrow(r, carry):
            for j in range(DA // 16):
                rows0[r, pl.ds(j * 16, 16)] = jnp.zeros((16,), jnp.float32)
            return carry
        lax.fori_loop(0, CHUNK, _zrow, 0)
        r0 = sid * rpt
        off = 0
        while off < rpt:
            n = min(CHUNK, rpt - off)
            pltpu.sync_copy(rows0.at[pl.ds(0, n)], acc.at[pl.ds(r0 + off, n)])
            off += n
        plsc.subcore_barrier()

        c0 = wid * nch
        pltpu.sync_copy(edge_hbm.at[0, pl.ds(c0, nch)], src_v.at[pl.ds(0, nch)])
        pltpu.sync_copy(edge_hbm.at[1, pl.ds(c0, nch)], dst_v.at[pl.ds(0, nch)])

        if filt:
            lanes16 = lax.iota(i32, 16)
            trash = (nchs * CHUNK - 16) + lanes16

            def _scan_chunk(c, off_vec):
                for j in range(CHUNK // 16):
                    sv = src_v[c, pl.ds(j * 16, 16)]
                    dv = dst_v[c, pl.ds(j * 16, 16)]
                    m = dv < filter_below
                    mi = m.astype(i32)
                    cnt = plsc.all_reduce_population_count(m)
                    pos = plsc.cumsum(mi) + (off_vec - 1)
                    idx = jnp.where(m, pos, trash)
                    row = jnp.right_shift(idx, 7)
                    col = jnp.bitwise_and(idx, CHUNK - 1)
                    plsc.store_scatter(src_v, [row, col], sv)
                    plsc.store_scatter(dst_v, [row, col], dv)
                    off_vec = off_vec + cnt
                return off_vec
            nedge = lax.fori_loop(
                0, nch, _scan_chunk, jnp.zeros((16,), i32))[0]

            for k in range(2 * CHUNK // 16):
                pp = nedge + 16 * k + lanes16
                prow = jnp.right_shift(pp, 7)
                pcol = jnp.bitwise_and(pp, CHUNK - 1)
                plsc.store_scatter(
                    src_v, [prow, pcol], 16 * k + lanes16)
                plsc.store_scatter(
                    dst_v, [prow, pcol],
                    filter_below + ((16 * k + lanes16) % CHUNK))
            nch_d = jnp.maximum(2 * ((nedge + 2 * CHUNK - 1) // (2 * CHUNK)),
                                2)
        else:
            nch_d = nch

        def _gidx(g):
            return src_v.at[g]

        def _didx(g):
            return dst_v.at[g]

        pltpu.async_copy(table_hbm.at[_gidx(0)], rows0, sem)

        def _swait():
            pltpu.make_async_copy(rows0, acc.at[_didx(0)], sem_s).wait()

        def _pair(h, carry):
            g0 = 2 * h
            g1 = g0 + 1
            pltpu.make_async_copy(table_hbm.at[_gidx(g0)], rows0, sem).wait()

            @pl.when(h > 0)
            def _drain_prev():
                _swait()

            pltpu.async_copy(table_hbm.at[_gidx(g1)], rows1, sem)
            pltpu.async_copy(rows0, acc.at[_didx(g0)], sem_s, add=True)
            pltpu.make_async_copy(table_hbm.at[_gidx(g1)], rows1, sem).wait()
            _swait()

            @pl.when(g1 + 1 < nch_d)
            def _prefetch():
                pltpu.async_copy(table_hbm.at[_gidx(g1 + 1)], rows0, sem)

            pltpu.async_copy(rows1, acc.at[_didx(g1)], sem_s, add=True)
            return carry
        lax.fori_loop(0, nch_d // 2, _pair, 0)
        _swait()
        plsc.subcore_barrier()

        off = 0
        while off < rpt:
            n = min(CHUNK, rpt - off)
            pltpu.sync_copy(acc.at[pl.ds(r0 + off, n)],
                            out_hbm.at[cid, pl.ds(r0 + off, n)])
            off += n

    return seg_kernel


_seg1 = _make_seg_sum(NCH1, T1_ROWS, ACC1_ROWS, filter_below=N2)
_seg2 = _make_seg_sum(NCH2, T2_ROWS, ACC2_ROWS)


def _tc1_body(p_ref, xd_ref, wl_ref, b_ref, wr_ref, o_ref):
    s = p_ref[0, :N2] + p_ref[1, :N2]
    cnt = s[:, D:D + 1]
    mean = s[:, :D] / jnp.maximum(cnt, 1.0)
    h = mean @ wl_ref[...] + b_ref[...] + xd_ref[...] @ wr_ref[...]
    h = jnp.maximum(h, 0.0)
    o_ref[...] = jnp.concatenate(
        [h, jnp.ones((N2, 1), jnp.float32), jnp.zeros((N2, DA - D - 1),
                                                      jnp.float32)], axis=1)


def _tc2_body(p_ref, h_ref, wl_ref, b_ref, wr_ref, o_ref):
    s = p_ref[0] + p_ref[1]
    mean = s[:, :D] / jnp.maximum(s[:, D:D + 1], 1.0)
    z = mean @ wl_ref[...] + b_ref[...] + h_ref[...][:, :D] @ wr_ref[...]
    m = jnp.max(z, axis=1, keepdims=True)
    lse = jnp.log(jnp.sum(jnp.exp(z - m), axis=1, keepdims=True)) + m
    o_ref[...] = z - lse


_tc1 = pl.pallas_call(
    _tc1_body, out_shape=jax.ShapeDtypeStruct((N2, DA), jnp.float32))
_tc2 = pl.pallas_call(
    _tc2_body, out_shape=jax.ShapeDtypeStruct((N2, D), jnp.float32))


def kernel(x, edge_index1, edge_index2, W1_l, b1_l, W1_r, W2_l, b2_l, W2_r):
    f32 = jnp.float32
    i32 = jnp.int32
    pad1 = E1P - E1
    pads = jnp.concatenate(
        [jnp.zeros((1, pad1), i32), jnp.full((1, pad1), N2, i32)], axis=0)
    e1 = jnp.concatenate(
        [edge_index1.astype(i32), pads], axis=1).reshape(2, -1, CHUNK)
    e2 = edge_index2.astype(i32).reshape(2, -1, CHUNK)

    xa = jnp.concatenate(
        [x[:N1], jnp.ones((N1, 1), f32), jnp.zeros((N1, DA - D - 1), f32)],
        axis=1)

    part1 = _seg1(xa, e1)
    ha = _tc1(part1, x[:N2], W1_l, b1_l.reshape(1, D), W1_r)

    part2 = _seg2(ha, e2)
    out = _tc2(part2, ha, W2_l, b2_l.reshape(1, D), W2_r)
    return out

# --- scband reference (transcript-rebuilt; emitter-appended) ---
"""Pipeline reference for scband-sage-10393820856777 (READ-ONLY COPY).

The authoritative reference and input builder live on the scoring server;
editing this copy changes nothing except your own understanding.
"""

import jax, jax.numpy as jnp
import numpy as np

N0, N1, N2 = 10000, 4096, 1024
E1, E2 = 320000, 131072
D_IN, D_H, D_OUT = 128, 128, 128


def setup_inputs(seed: int = 0) -> dict:
    key = jax.random.key(seed)
    ks = jax.random.split(key, 10)
    x = jax.random.normal(ks[0], (N0, D_IN), dtype=jnp.float32)
    edge_index1 = jax.random.randint(ks[1], (2, E1), 0, N1, dtype=jnp.int64 if jax.config.read('jax_enable_x64') else jnp.int32)
    edge_index2 = jax.random.randint(ks[2], (2, E2), 0, N2, dtype=jnp.int64 if jax.config.read('jax_enable_x64') else jnp.int32)
    W1_l = jax.random.normal(ks[3], (D_IN, D_H), dtype=jnp.float32) * 0.05
    b1_l = jnp.zeros((D_H,), dtype=jnp.float32)
    W1_r = jax.random.normal(ks[4], (D_IN, D_H), dtype=jnp.float32) * 0.05
    W2_l = jax.random.normal(ks[5], (D_H, D_OUT), dtype=jnp.float32) * 0.05
    b2_l = jnp.zeros((D_OUT,), dtype=jnp.float32)
    W2_r = jax.random.normal(ks[6], (D_H, D_OUT), dtype=jnp.float32) * 0.05
    return {"x": x, "edge_index1": edge_index1, "edge_index2": edge_index2,
            "W1_l": W1_l, "b1_l": b1_l, "W1_r": W1_r,
            "W2_l": W2_l, "b2_l": b2_l, "W2_r": W2_r}


def _sage_conv(x_src, x_dst, edge_index, W_l, b_l, W_r):
    # PyG SAGEConv (aggr='mean') on a bipartite graph (x_src, x_dst):
    # out = lin_l(mean_aggr(x_src[src] -> dst)) + lin_r(x_dst); lin_r has no bias.
    src = edge_index[0]
    dst = edge_index[1]
    msgs = jnp.take(x_src, src, axis=0)
    n_dst = x_dst.shape[0]
    summed = jax.ops.segment_sum(msgs, dst, num_segments=n_dst)
    cnt = jax.ops.segment_sum(jnp.ones((msgs.shape[0],), jnp.float32), dst, num_segments=n_dst)
    mean = summed / jnp.clip(cnt, 1.0)[:, None]
    return mean @ W_l + b_l + x_dst @ W_r


def reference(x, edge_index1, edge_index2, W1_l, b1_l, W1_r, W2_l, b2_l, W2_r):
    # Layer 1: (10000 -> 4096)
    x_target = x[:N1]
    h = _sage_conv(x, x_target, edge_index1, W1_l, b1_l, W1_r)
    h = jax.nn.relu(h)
    # dropout(p=0.5) is identity in eval mode
    # Layer 2: (4096 -> 1024)
    h_target = h[:N2]
    out = _sage_conv(h, h_target, edge_index2, W2_l, b2_l, W2_r)
    return jax.nn.log_softmax(out, axis=-1)

if __name__ == "__main__":
    import jax
    _d = setup_inputs()
    print(jax.jit(kernel)(*tuple(_d.values())))

</pallas_src>

<mosaic_0001>
#map = affine_map<(d0, d1) -> (0, 0)>
#map1 = affine_map<(d0, d1) -> (0, 0, 0)>
module attributes {stable_mosaic.version = 14 : i64} {
  func.func @seg_kernel(%arg0: i32, %arg1: i32, %arg2: memref<1024x144xf32, #tpu.memory_space<hbm>>, %arg3: memref<2x1024x128xi32, #tpu.memory_space<hbm>>, %arg4: memref<2x1024x144xf32, #tpu.memory_space<hbm>>, %arg5: memref<32x128xi32, #tpu.memory_space<vmem>>, %arg6: memref<32x128xi32, #tpu.memory_space<vmem>>, %arg7: memref<128x144xf32, #tpu.memory_space<vmem>>, %arg8: memref<128x144xf32, #tpu.memory_space<vmem>>, %arg9: memref<1024x144xf32, #tpu.memory_space<vmem_shared>>, %arg10: memref<!tpu.dma_semaphore, #tpu.memory_space<semaphore_mem>>, %arg11: memref<!tpu.dma_semaphore, #tpu.memory_space<semaphore_mem>>) attributes {dimension_semantics = [#tpu.dimension_semantics<core_parallel>, #tpu.dimension_semantics<subcore_parallel>], iteration_bounds = array<i64: 2, 16>, scalar_prefetch = 0 : i64, scratch_operands = 7 : i64, tpu.core_type = #tpu.core_type<sc_vector_subcore>, window_params = [{transform_indices = #map}, {transform_indices = #map1}, {transform_indices = #map1}]} {
    %mul3A = arith.constant 2 : i32
    %mul3A_0 = arith.muli %arg1, %mul3A : i32
    %add3A = arith.addi %mul3A_0, %arg0 : i32
    %scan3A = arith.constant 0 : i32
    %scan3A_1 = arith.constant 0 : i32
    %scan3A_2 = arith.constant 128 : i32
    %scan3A_3 = arith.addi %scan3A_1, %scan3A_2 : i32
    %scan3A_4 = arith.constant 1 : i32
    scf.for %scan3A_36 = %scan3A_1 to %scan3A_3 step %scan3A_4  : i32 {
      %broadcast_in_dim3A = arith.constant 0.000000e+00 : f32
      %broadcast_in_dim3A_37 = vector.broadcast %broadcast_in_dim3A : f32 to vector<16xf32>
      %swap3A = arith.index_cast %scan3A_36 : i32 to index
      %swap3A_38 = arith.constant 0 : index
      %swap3A_39 = tpu.vector_load %arg7[%swap3A, %swap3A_38] {strides = array<i32>} : memref<128x144xf32, #tpu.memory_space<vmem>>, vector<16xf32>,
      tpu.vector_store %arg7[%swap3A, %swap3A_38], %broadcast_in_dim3A_37 {strides = array<i32>} : memref<128x144xf32, #tpu.memory_space<vmem>>, vector<16xf32>,
      %broadcast_in_dim3A_40 = arith.constant 0.000000e+00 : f32
      %broadcast_in_dim3A_41 = vector.broadcast %broadcast_in_dim3A_40 : f32 to vector<16xf32>
      %swap3A_42 = arith.index_cast %scan3A_36 : i32 to index
      %swap3A_43 = arith.constant 16 : index
      %swap3A_44 = tpu.vector_load %arg7[%swap3A_42, %swap3A_43] {strides = array<i32>} : memref<128x144xf32, #tpu.memory_space<vmem>>, vector<16xf32>,
      tpu.vector_store %arg7[%swap3A_42, %swap3A_43], %broadcast_in_dim3A_41 {strides = array<i32>} : memref<128x144xf32, #tpu.memory_space<vmem>>, vector<16xf32>,
      %broadcast_in_dim3A_45 = arith.constant 0.000000e+00 : f32
      %broadcast_in_dim3A_46 = vector.broadcast %broadcast_in_dim3A_45 : f32 to vector<16xf32>
      %swap3A_47 = arith.index_cast %scan3A_36 : i32 to index
      %swap3A_48 = arith.constant 32 : index
      %swap3A_49 = tpu.vector_load %arg7[%swap3A_47, %swap3A_48] {strides = array<i32>} : memref<128x144xf32, #tpu.memory_space<vmem>>, vector<16xf32>,
      tpu.vector_store %arg7[%swap3A_47, %swap3A_48], %broadcast_in_dim3A_46 {strides = array<i32>} : memref<128x144xf32, #tpu.memory_space<vmem>>, vector<16xf32>,
      %broadcast_in_dim3A_50 = arith.constant 0.000000e+00 : f32
      %broadcast_in_dim3A_51 = vector.broadcast %broadcast_in_dim3A_50 : f32 to vector<16xf32>
      %swap3A_52 = arith.index_cast %scan3A_36 : i32 to index
      %swap3A_53 = arith.constant 48 : index
      %swap3A_54 = tpu.vector_load %arg7[%swap3A_52, %swap3A_53] {strides = array<i32>} : memref<128x144xf32, #tpu.memory_space<vmem>>, vector<16xf32>,
      tpu.vector_store %arg7[%swap3A_52, %swap3A_53], %broadcast_in_dim3A_51 {strides = array<i32>} : memref<128x144xf32, #tpu.memory_space<vmem>>, vector<16xf32>,
      %broadcast_in_dim3A_55 = arith.constant 0.000000e+00 : f32
      %broadcast_in_dim3A_56 = vector.broadcast %broadcast_in_dim3A_55 : f32 to vector<16xf32>
      %swap3A_57 = arith.index_cast %scan3A_36 : i32 to index
      %swap3A_58 = arith.constant 64 : index
      %swap3A_59 = tpu.vector_load %arg7[%swap3A_57, %swap3A_58] {strides = array<i32>} : memref<128x144xf32, #tpu.memory_space<vmem>>, vector<16xf32>,
      tpu.vector_store %arg7[%swap3A_57, %swap3A_58], %broadcast_in_dim3A_56 {strides = array<i32>} : memref<128x144xf32, #tpu.memory_space<vmem>>, vector<16xf32>,
      %broadcast_in_dim3A_60 = arith.constant 0.000000e+00 : f32
      %broadcast_in_dim3A_61 = vector.broadcast %broadcast_in_dim3A_60 : f32 to vector<16xf32>
      %swap3A_62 = arith.index_cast %scan3A_36 : i32 to index
      %swap3A_63 = arith.constant 80 : index
      %swap3A_64 = tpu.vector_load %arg7[%swap3A_62, %swap3A_63] {strides = array<i32>} : memref<128x144xf32, #tpu.memory_space<vmem>>, vector<16xf32>,
      tpu.vector_store %arg7[%swap3A_62, %swap3A_63], %broadcast_in_dim3A_61 {strides = array<i32>} : memref<128x144xf32, #tpu.memory_space<vmem>>, vector<16xf32>,
      %broadcast_in_dim3A_65 = arith.constant 0.000000e+00 : f32
      %broadcast_in_dim3A_66 = vector.broadcast %broadcast_in_dim3A_65 : f32 to vector<16xf32>
      %swap3A_67 = arith.index_cast %scan3A_36 : i32 to index
      %swap3A_68 = arith.constant 96 : index
      %swap3A_69 = tpu.vector_load %arg7[%swap3A_67, %swap3A_68] {strides = array<i32>} : memref<128x144xf32, #tpu.memory_space<vmem>>, vector<16xf32>,
      tpu.vector_store %arg7[%swap3A_67, %swap3A_68], %broadcast_in_dim3A_66 {strides = array<i32>} : memref<128x144xf32, #tpu.memory_space<vmem>>, vector<16xf32>,
      %broadcast_in_dim3A_70 = arith.constant 0.000000e+00 : f32
      %broadcast_in_dim3A_71 = vector.broadcast %broadcast_in_dim3A_70 : f32 to vector<16xf32>
      %swap3A_72 = arith.index_cast %scan3A_36 : i32 to index
      %swap3A_73 = arith.constant 112 : index
      %swap3A_74 = tpu.vector_load %arg7[%swap3A_72, %swap3A_73] {strides = array<i32>} : memref<128x144xf32, #tpu.memory_space<vmem>>, vector<16xf32>,
      tpu.vector_store %arg7[%swap3A_72, %swap3A_73], %broadcast_in_dim3A_71 {strides = array<i32>} : memref<128x144xf32, #tpu.memory_space<vmem>>, vector<16xf32>,
      %broadcast_in_dim3A_75 = arith.constant 0.000000e+00 : f32
      %broadcast_in_dim3A_76 = vector.broadcast %broadcast_in_dim3A_75 : f32 to vector<16xf32>
      %swap3A_77 = arith.index_cast %scan3A_36 : i32 to index
      %swap3A_78 = arith.constant 128 : index
      %swap3A_79 = tpu.vector_load %arg7[%swap3A_77, %swap3A_78] {strides = array<i32>} : memref<128x144xf32, #tpu.memory_space<vmem>>, vector<16xf32>,
      tpu.vector_store %arg7[%swap3A_77, %swap3A_78], %broadcast_in_dim3A_76 {strides = array<i32>} : memref<128x144xf32, #tpu.memory_space<vmem>>, vector<16xf32>,
    }
    %scan3A_5 = arith.constant 128 : i32
    %mul3A_6 = arith.constant 64 : i32
    %mul3A_7 = arith.muli %arg1, %mul3A_6 : i32
    %add3A_8 = arith.constant 0 : i32
    %add3A_9 = arith.addi %mul3A_7, %add3A_8 : i32
    "tpu.region"() ({
      %run_scoped3A_36 = tpu.sem_alloc : memref<!tpu.dma_semaphore, #tpu.memory_space<semaphore_mem>>
      %dma_start3A_37 = arith.constant 0 : i32
      %dma_start3A_38 = arith.constant 0 : i32
      %dma_start3A_39 = tpu.memref_slice %arg7[%dma_start3A_37, %dma_start3A_38] : memref<128x144xf32, #tpu.memory_space<vmem>> -> memref<64x144xf32, #tpu.memory_space<vmem>>
      %dma_start3A_40 = arith.constant 0 : i32
      %dma_start3A_41 = tpu.memref_slice %arg9[%add3A_9, %dma_start3A_40] : memref<1024x144xf32, #tpu.memory_space<vmem_shared>> -> memref<64x144xf32, #tpu.memory_space<vmem_shared>>
      %dma_start3A_42 = arith.constant 0 : i32
      %dma_start3A_43 = tpu.memref_slice %arg9[%add3A_9, %dma_start3A_42] : memref<1024x144xf32, #tpu.memory_space<vmem_shared>> -> memref<64x144xf32, #tpu.memory_space<vmem_shared>>
      %dma_start3A_44 = arith.constant 0 : i32
      %dma_start3A_45 = arith.constant 0 : i32
      %dma_start3A_46 = tpu.memref_slice %arg7[%dma_start3A_44, %dma_start3A_45] : memref<128x144xf32, #tpu.memory_space<vmem>> -> memref<64x144xf32, #tpu.memory_space<vmem>>
      tpu.enqueue_dma source(%dma_start3A_46 : memref<64x144xf32, #tpu.memory_space<vmem>>) target(%dma_start3A_43 : memref<64x144xf32, #tpu.memory_space<vmem_shared>>) target_semaphore(%run_scoped3A_36 : memref<!tpu.dma_semaphore, #tpu.memory_space<semaphore_mem>>)
      %dma_wait3A_47 = arith.constant 0 : i32
      %dma_wait3A_48 = arith.constant 0 : i32
      %dma_wait3A_49 = tpu.memref_slice %arg7[%dma_wait3A_47, %dma_wait3A_48] : memref<128x144xf32, #tpu.memory_space<vmem>> -> memref<64x144xf32, #tpu.memory_space<vmem>>
      %dma_wait3A_50 = arith.constant 0 : i32
      %dma_wait3A_51 = tpu.memref_slice %arg9[%add3A_9, %dma_wait3A_50] : memref<1024x144xf32, #tpu.memory_space<vmem_shared>> -> memref<64x144xf32, #tpu.memory_space<vmem_shared>>
      %dma_wait3A_52 = arith.constant 0 : i32
      %dma_wait3A_53 = tpu.memref_slice %arg9[%add3A_9, %dma_wait3A_52] : memref<1024x144xf32, #tpu.memory_space<vmem_shared>> -> memref<64x144xf32, #tpu.memory_space<vmem_shared>>
      %dma_wait3A_54 = arith.constant 0 : i32
      %dma_wait3A_55 = arith.constant 0 : i32
      %dma_wait3A_56 = tpu.memref_slice %arg7[%dma_wait3A_54, %dma_wait3A_55] : memref<128x144xf32, #tpu.memory_space<vmem>> -> memref<64x144xf32, #tpu.memory_space<vmem>>
      tpu.wait_dma2 semaphore(%run_scoped3A_36 : memref<!tpu.dma_semaphore, #tpu.memory_space<semaphore_mem>>) src(%dma_wait3A_56 : memref<64x144xf32, #tpu.memory_space<vmem>>) dst(%dma_wait3A_53 : memref<64x144xf32, #tpu.memory_space<vmem_shared>>)
      tpu.yield
    }) : () -> ()
    %barrier3A = arith.constant 0 : index
    tpu.barrier barrier_id(%barrier3A)
    %mul3A_10 = arith.constant 32 : i32
    %mul3A_11 = arith.muli %add3A, %mul3A_10 : i32
    %run_scoped3A = arith.constant 0 : i32
    "tpu.region"() ({
      %run_scoped3A_36 = tpu.sem_alloc : memref<!tpu.dma_semaphore, #tpu.memory_space<semaphore_mem>>
      %dma_start3A_37 = arith.constant 0 : i32
      %dma_start3A_38 = arith.constant 0 : i32
      %dma_start3A_39 = tpu.memref_slice %arg5[%dma_start3A_37, %dma_start3A_38] : memref<32x128xi32, #tpu.memory_space<vmem>> -> memref<32x128xi32, #tpu.memory_space<vmem>>
      %dma_start3A_40 = arith.constant 0 : i32
      %dma_start3A_41 = tpu.memref_slice %arg3[%run_scoped3A, %mul3A_11, %dma_start3A_40] : memref<2x1024x128xi32, #tpu.memory_space<hbm>> -> memref<1x32x128xi32, #tpu.memory_space<hbm>>
      %dma_start3A_42 = tpu.memref_squeeze %dma_start3A_41 : memref<1x32x128xi32, #tpu.memory_space<hbm>> -> memref<32x128xi32, #tpu.memory_space<hbm>>
      %dma_start3A_43 = arith.constant 0 : i32
      %dma_start3A_44 = arith.constant 0 : i32
      %dma_start3A_45 = tpu.memref_slice %arg5[%dma_start3A_43, %dma_start3A_44] : memref<32x128xi32, #tpu.memory_space<vmem>> -> memref<32x128xi32, #tpu.memory_space<vmem>>
      %dma_start3A_46 = arith.constant 0 : i32
      %dma_start3A_47 = tpu.memref_slice %arg3[%run_scoped3A, %mul3A_11, %dma_start3A_46] : memref<2x1024x128xi32, #tpu.memory_space<hbm>> -> memref<1x32x128xi32, #tpu.memory_space<hbm>>
      %dma_start3A_48 = tpu.memref_squeeze %dma_start3A_47 : memref<1x32x128xi32, #tpu.memory_space<hbm>> -> memref<32x128xi32, #tpu.memory_space<hbm>>
      tpu.enqueue_dma source(%dma_start3A_48 : memref<32x128xi32, #tpu.memory_space<hbm>>) target(%dma_start3A_45 : memref<32x128xi32, #tpu.memory_space<vmem>>) target_semaphore(%run_scoped3A_36 : memref<!tpu.dma_semaphore, #tpu.memory_space<semaphore_mem>>)
      %dma_wait3A_49 = arith.constant 0 : i32
      %dma_wait3A_50 = arith.constant 0 : i32
      %dma_wait3A_51 = tpu.memref_slice %arg5[%dma_wait3A_49, %dma_wait3A_50] : memref<32x128xi32, #tpu.memory_space<vmem>> -> memref<32x128xi32, #tpu.memory_space<vmem>>
      %dma_wait3A_52 = arith.constant 0 : i32
      %dma_wait3A_53 = tpu.memref_slice %arg3[%run_scoped3A, %mul3A_11, %dma_wait3A_52] : memref<2x1024x128xi32, #tpu.memory_space<hbm>> -> memref<1x32x128xi32, #tpu.memory_space<hbm>>
      %dma_wait3A_54 = tpu.memref_squeeze %dma_wait3A_53 : memref<1x32x128xi32, #tpu.memory_space<hbm>> -> memref<32x128xi32, #tpu.memory_space<hbm>>
      %dma_wait3A_55 = arith.constant 0 : i32
      %dma_wait3A_56 = arith.constant 0 : i32
      %dma_wait3A_57 = tpu.memref_slice %arg5[%dma_wait3A_55, %dma_wait3A_56] : memref<32x128xi32, #tpu.memory_space<vmem>> -> memref<32x128xi32, #tpu.memory_space<vmem>>
      %dma_wait3A_58 = arith.constant 0 : i32
      %dma_wait3A_59 = tpu.memref_slice %arg3[%run_scoped3A, %mul3A_11, %dma_wait3A_58] : memref<2x1024x128xi32, #tpu.memory_space<hbm>> -> memref<1x32x128xi32, #tpu.memory_space<hbm>>
      %dma_wait3A_60 = tpu.memref_squeeze %dma_wait3A_59 : memref<1x32x128xi32, #tpu.memory_space<hbm>> -> memref<32x128xi32, #tpu.memory_space<hbm>>
      tpu.wait_dma2 semaphore(%run_scoped3A_36 : memref<!tpu.dma_semaphore, #tpu.memory_space<semaphore_mem>>) src(%dma_wait3A_60 : memref<32x128xi32, #tpu.memory_space<hbm>>) dst(%dma_wait3A_57 : memref<32x128xi32, #tpu.memory_space<vmem>>)
      tpu.yield
    }) : () -> ()
    %run_scoped3A_12 = arith.constant 1 : i32
    "tpu.region"() ({
      %run_scoped3A_36 = tpu.sem_alloc : memref<!tpu.dma_semaphore, #tpu.memory_space<semaphore_mem>>
      %dma_start3A_37 = arith.constant 0 : i32
      %dma_start3A_38 = arith.constant 0 : i32
      %dma_start3A_39 = tpu.memref_slice %arg6[%dma_start3A_37, %dma_start3A_38] : memref<32x128xi32, #tpu.memory_space<vmem>> -> memref<32x128xi32, #tpu.memory_space<vmem>>
      %dma_start3A_40 = arith.constant 0 : i32
      %dma_start3A_41 = tpu.memref_slice %arg3[%run_scoped3A_12, %mul3A_11, %dma_start3A_40] : memref<2x1024x128xi32, #tpu.memory_space<hbm>> -> memref<1x32x128xi32, #tpu.memory_space<hbm>>
      %dma_start3A_42 = tpu.memref_squeeze %dma_start3A_41 : memref<1x32x128xi32, #tpu.memory_space<hbm>> -> memref<32x128xi32, #tpu.memory_space<hbm>>
      %dma_start3A_43 = arith.constant 0 : i32
      %dma_start3A_44 = arith.constant 0 : i32
      %dma_start3A_45 = tpu.memref_slice %arg6[%dma_start3A_43, %dma_start3A_44] : memref<32x128xi32, #tpu.memory_space<vmem>> -> memref<32x128xi32, #tpu.memory_space<vmem>>
      %dma_start3A_46 = arith.constant 0 : i32
      %dma_start3A_47 = tpu.memref_slice %arg3[%run_scoped3A_12, %mul3A_11, %dma_start3A_46] : memref<2x1024x128xi32, #tpu.memory_space<hbm>> -> memref<1x32x128xi32, #tpu.memory_space<hbm>>
      %dma_start3A_48 = tpu.memref_squeeze %dma_start3A_47 : memref<1x32x128xi32, #tpu.memory_space<hbm>> -> memref<32x128xi32, #tpu.memory_space<hbm>>
      tpu.enqueue_dma source(%dma_start3A_48 : memref<32x128xi32, #tpu.memory_space<hbm>>) target(%dma_start3A_45 : memref<32x128xi32, #tpu.memory_space<vmem>>) target_semaphore(%run_scoped3A_36 : memref<!tpu.dma_semaphore, #tpu.memory_space<semaphore_mem>>)
      %dma_wait3A_49 = arith.constant 0 : i32
      %dma_wait3A_50 = arith.constant 0 : i32
      %dma_wait3A_51 = tpu.memref_slice %arg6[%dma_wait3A_49, %dma_wait3A_50] : memref<32x128xi32, #tpu.memory_space<vmem>> -> memref<32x128xi32, #tpu.memory_space<vmem>>
      %dma_wait3A_52 = arith.constant 0 : i32
      %dma_wait3A_53 = tpu.memref_slice %arg3[%run_scoped3A_12, %mul3A_11, %dma_wait3A_52] : memref<2x1024x128xi32, #tpu.memory_space<hbm>> -> memref<1x32x128xi32, #tpu.memory_space<hbm>>
      %dma_wait3A_54 = tpu.memref_squeeze %dma_wait3A_53 : memref<1x32x128xi32, #tpu.memory_space<hbm>> -> memref<32x128xi32, #tpu.memory_space<hbm>>
      %dma_wait3A_55 = arith.constant 0 : i32
      %dma_wait3A_56 = arith.constant 0 : i32
      %dma_wait3A_57 = tpu.memref_slice %arg6[%dma_wait3A_55, %dma_wait3A_56] : memref<32x128xi32, #tpu.memory_space<vmem>> -> memref<32x128xi32, #tpu.memory_space<vmem>>
      %dma_wait3A_58 = arith.constant 0 : i32
      %dma_wait3A_59 = tpu.memref_slice %arg3[%run_scoped3A_12, %mul3A_11, %dma_wait3A_58] : memref<2x1024x128xi32, #tpu.memory_space<hbm>> -> memref<1x32x128xi32, #tpu.memory_space<hbm>>
      %dma_wait3A_60 = tpu.memref_squeeze %dma_wait3A_59 : memref<1x32x128xi32, #tpu.memory_space<hbm>> -> memref<32x128xi32, #tpu.memory_space<hbm>>
      tpu.wait_dma2 semaphore(%run_scoped3A_36 : memref<!tpu.dma_semaphore, #tpu.memory_space<semaphore_mem>>) src(%dma_wait3A_60 : memref<32x128xi32, #tpu.memory_space<hbm>>) dst(%dma_wait3A_57 : memref<32x128xi32, #tpu.memory_space<vmem>>)
      tpu.yield
    }) : () -> ()
    %dma_start3A = arith.constant 0 : i32
    %dma_start3A_13 = arith.constant 0 : i32
    %dma_start3A_14 = tpu.memref_slice %arg5[%dma_start3A, %dma_start3A_13] : memref<32x128xi32, #tpu.memory_space<vmem>> -> memref<1x128xi32, #tpu.memory_space<vmem>>
    %dma_start3A_15 = tpu.memref_squeeze %dma_start3A_14 : memref<1x128xi32, #tpu.memory_space<vmem>> -> memref<128xi32, #tpu.memory_space<vmem>>
    %dma_start3A_16 = arith.constant 0 : i32
    %dma_start3A_17 = arith.constant 0 : i32
    %dma_start3A_18 = tpu.memref_slice %arg2[%dma_start3A_16, %dma_start3A_17] : memref<1024x144xf32, #tpu.memory_space<hbm>> -> memref<1024x144xf32, #tpu.memory_space<hbm>>
    tpu.enqueue_indirect_dma source(%dma_start3A_18 : memref<1024x144xf32, #tpu.memory_space<hbm>>) target(%arg7 : memref<128x144xf32, #tpu.memory_space<vmem>>) offsets(%dma_start3A_15 : memref<128xi32, #tpu.memory_space<vmem>>) semaphore(%arg10 : memref<!tpu.dma_semaphore, #tpu.memory_space<semaphore_mem>>)
    %scan3A_19 = arith.constant 0 : i32
    %scan3A_20 = arith.constant 0 : i32
    %scan3A_21 = arith.constant 16 : i32
    %scan3A_22 = arith.addi %scan3A_20, %scan3A_21 : i32
    %scan3A_23 = arith.constant 1 : i32
    scf.for %scan3A_36 = %scan3A_20 to %scan3A_22 step %scan3A_23  : i32 {
      %mul3A_37 = arith.constant 2 : i32
      %mul3A_38 = arith.muli %mul3A_37, %scan3A_36 : i32
      %add3A_39 = arith.constant 1 : i32
      %add3A_40 = arith.addi %mul3A_38, %add3A_39 : i32
      %dma_wait3A_41 = arith.constant 0 : i32
      %dma_wait3A_42 = tpu.memref_slice %arg5[%mul3A_38, %dma_wait3A_41] : memref<32x128xi32, #tpu.memory_space<vmem>> -> memref<1x128xi32, #tpu.memory_space<vmem>>
      %dma_wait3A_43 = tpu.memref_squeeze %dma_wait3A_42 : memref<1x128xi32, #tpu.memory_space<vmem>> -> memref<128xi32, #tpu.memory_space<vmem>>
      %dma_wait3A_44 = arith.constant 0 : i32
      %dma_wait3A_45 = arith.constant 0 : i32
      %dma_wait3A_46 = tpu.memref_slice %arg2[%dma_wait3A_44, %dma_wait3A_45] : memref<1024x144xf32, #tpu.memory_space<hbm>> -> memref<1024x144xf32, #tpu.memory_space<hbm>>
      tpu.wait_indirect_dma semaphore(%arg10 : memref<!tpu.dma_semaphore, #tpu.memory_space<semaphore_mem>>) src(%dma_wait3A_46 : memref<1024x144xf32, #tpu.memory_space<hbm>>) dst(%arg7 : memref<128x144xf32, #tpu.memory_space<vmem>>)
      %gt3A = arith.constant 0 : i32
      %gt3A_47 = arith.cmpi sgt, %scan3A_36, %gt3A : i32
      %convert_element_type3A = arith.extui %gt3A_47 : i1 to i32
      %cond3A = arith.constant 0 : i32
      %cond3A_48 = arith.cmpi ne, %convert_element_type3A, %cond3A : i32
      scf.if %cond3A_48 {
        %dma_wait3A_86 = arith.constant 0 : i32
        %dma_wait3A_87 = arith.constant 0 : i32
        %dma_wait3A_88 = tpu.memref_slice %arg6[%dma_wait3A_86, %dma_wait3A_87] : memref<32x128xi32, #tpu.memory_space<vmem>> -> memref<1x128xi32, #tpu.memory_space<vmem>>
        %dma_wait3A_89 = tpu.memref_squeeze %dma_wait3A_88 : memref<1x128xi32, #tpu.memory_space<vmem>> -> memref<128xi32, #tpu.memory_space<vmem>>
        %dma_wait3A_90 = arith.constant 0 : i32
        %dma_wait3A_91 = arith.constant 0 : i32
        %dma_wait3A_92 = tpu.memref_slice %arg9[%dma_wait3A_90, %dma_wait3A_91] : memref<1024x144xf32, #tpu.memory_space<vmem_shared>> -> memref<1024x144xf32, #tpu.memory_space<vmem_shared>>
        tpu.wait_indirect_dma semaphore(%arg11 : memref<!tpu.dma_semaphore, #tpu.memory_space<semaphore_mem>>) src(%arg7 : memref<128x144xf32, #tpu.memory_space<vmem>>) dst(%dma_wait3A_92 : memref<1024x144xf32, #tpu.memory_space<vmem_shared>>)
      } else {
      }
      %dma_start3A_49 = arith.constant 0 : i32
      %dma_start3A_50 = tpu.memref_slice %arg5[%add3A_40, %dma_start3A_49] : memref<32x128xi32, #tpu.memory_space<vmem>> -> memref<1x128xi32, #tpu.memory_space<vmem>>
      %dma_start3A_51 = tpu.memref_squeeze %dma_start3A_50 : memref<1x128xi32, #tpu.memory_space<vmem>> -> memref<128xi32, #tpu.memory_space<vmem>>
      %dma_start3A_52 = arith.constant 0 : i32
      %dma_start3A_53 = arith.constant 0 : i32
      %dma_start3A_54 = tpu.memref_slice %arg2[%dma_start3A_52, %dma_start3A_53] : memref<1024x144xf32, #tpu.memory_space<hbm>> -> memref<1024x144xf32, #tpu.memory_space<hbm>>
      tpu.enqueue_indirect_dma source(%dma_start3A_54 : memref<1024x144xf32, #tpu.memory_space<hbm>>) target(%arg8 : memref<128x144xf32, #tpu.memory_space<vmem>>) offsets(%dma_start3A_51 : memref<128xi32, #tpu.memory_space<vmem>>) semaphore(%arg10 : memref<!tpu.dma_semaphore, #tpu.memory_space<semaphore_mem>>)
      %dma_start3A_55 = arith.constant 0 : i32
      %dma_start3A_56 = tpu.memref_slice %arg6[%mul3A_38, %dma_start3A_55] : memref<32x128xi32, #tpu.memory_space<vmem>> -> memref<1x128xi32, #tpu.memory_space<vmem>>
      %dma_start3A_57 = tpu.memref_squeeze %dma_start3A_56 : memref<1x128xi32, #tpu.memory_space<vmem>> -> memref<128xi32, #tpu.memory_space<vmem>>
      %dma_start3A_58 = arith.constant 0 : i32
      %dma_start3A_59 = arith.constant 0 : i32
      %dma_start3A_60 = tpu.memref_slice %arg9[%dma_start3A_58, %dma_start3A_59] : memref<1024x144xf32, #tpu.memory_space<vmem_shared>> -> memref<1024x144xf32, #tpu.memory_space<vmem_shared>>
      tpu.enqueue_indirect_dma source(%arg7 : memref<128x144xf32, #tpu.memory_space<vmem>>) target(%dma_start3A_60 : memref<1024x144xf32, #tpu.memory_space<vmem_shared>>) offsets(%dma_start3A_57 : memref<128xi32, #tpu.memory_space<vmem>>) semaphore(%arg11 : memref<!tpu.dma_semaphore, #tpu.memory_space<semaphore_mem>>) {add = true}
      %dma_wait3A_61 = arith.constant 0 : i32
      %dma_wait3A_62 = tpu.memref_slice %arg5[%add3A_40, %dma_wait3A_61] : memref<32x128xi32, #tpu.memory_space<vmem>> -> memref<1x128xi32, #tpu.memory_space<vmem>>
      %dma_wait3A_63 = tpu.memref_squeeze %dma_wait3A_62 : memref<1x128xi32, #tpu.memory_space<vmem>> -> memref<128xi32, #tpu.memory_space<vmem>>
      %dma_wait3A_64 = arith.constant 0 : i32
      %dma_wait3A_65 = arith.constant 0 : i32
      %dma_wait3A_66 = tpu.memref_slice %arg2[%dma_wait3A_64, %dma_wait3A_65] : memref<1024x144xf32, #tpu.memory_space<hbm>> -> memref<1024x144xf32, #tpu.memory_space<hbm>>
      tpu.wait_indirect_dma semaphore(%arg10 : memref<!tpu.dma_semaphore, #tpu.memory_space<semaphore_mem>>) src(%dma_wait3A_66 : memref<1024x144xf32, #tpu.memory_space<hbm>>) dst(%arg8 : memref<128x144xf32, #tpu.memory_space<vmem>>)
      %dma_wait3A_67 = arith.constant 0 : i32
      %dma_wait3A_68 = arith.constant 0 : i32
      %dma_wait3A_69 = tpu.memref_slice %arg6[%dma_wait3A_67, %dma_wait3A_68] : memref<32x128xi32, #tpu.memory_space<vmem>> -> memref<1x128xi32, #tpu.memory_space<vmem>>
      %dma_wait3A_70 = tpu.memref_squeeze %dma_wait3A_69 : memref<1x128xi32, #tpu.memory_space<vmem>> -> memref<128xi32, #tpu.memory_space<vmem>>
      %dma_wait3A_71 = arith.constant 0 : i32
      %dma_wait3A_72 = arith.constant 0 : i32
      %dma_wait3A_73 = tpu.memref_slice %arg9[%dma_wait3A_71, %dma_wait3A_72] : memref<1024x144xf32, #tpu.memory_space<vmem_shared>> -> memref<1024x144xf32, #tpu.memory_space<vmem_shared>>
      tpu.wait_indirect_dma semaphore(%arg11 : memref<!tpu.dma_semaphore, #tpu.memory_space<semaphore_mem>>) src(%arg7 : memref<128x144xf32, #tpu.memory_space<vmem>>) dst(%dma_wait3A_73 : memref<1024x144xf32, #tpu.memory_space<vmem_shared>>)
      %add3A_74 = arith.constant 1 : i32
      %add3A_75 = arith.addi %add3A_40, %add3A_74 : i32
      %lt3A = arith.constant 32 : i32
      %lt3A_76 = arith.cmpi slt, %add3A_75, %lt3A : i32
      %convert_element_type3A_77 = arith.extui %lt3A_76 : i1 to i32
      %cond3A_78 = arith.constant 0 : i32
      %cond3A_79 = arith.cmpi ne, %convert_element_type3A_77, %cond3A_78 : i32
      scf.if %cond3A_79 {
        %add3A_86 = arith.constant 1 : i32
        %add3A_87 = arith.addi %add3A_40, %add3A_86 : i32
        %dma_start3A_88 = arith.constant 0 : i32
        %dma_start3A_89 = tpu.memref_slice %arg5[%add3A_87, %dma_start3A_88] : memref<32x128xi32, #tpu.memory_space<vmem>> -> memref<1x128xi32, #tpu.memory_space<vmem>>
        %dma_start3A_90 = tpu.memref_squeeze %dma_start3A_89 : memref<1x128xi32, #tpu.memory_space<vmem>> -> memref<128xi32, #tpu.memory_space<vmem>>
        %dma_start3A_91 = arith.constant 0 : i32
        %dma_start3A_92 = arith.constant 0 : i32
        %dma_start3A_93 = tpu.memref_slice %arg2[%dma_start3A_91, %dma_start3A_92] : memref<1024x144xf32, #tpu.memory_space<hbm>> -> memref<1024x144xf32, #tpu.memory_space<hbm>>
        tpu.enqueue_indirect_dma source(%dma_start3A_93 : memref<1024x144xf32, #tpu.memory_space<hbm>>) target(%arg7 : memref<128x144xf32, #tpu.memory_space<vmem>>) offsets(%dma_start3A_90 : memref<128xi32, #tpu.memory_space<vmem>>) semaphore(%arg10 : memref<!tpu.dma_semaphore, #tpu.memory_space<semaphore_mem>>)
      } else {
      }
      %dma_start3A_80 = arith.constant 0 : i32
      %dma_start3A_81 = tpu.memref_slice %arg6[%add3A_40, %dma_start3A_80] : memref<32x128xi32, #tpu.memory_space<vmem>> -> memref<1x128xi32, #tpu.memory_space<vmem>>
      %dma_start3A_82 = tpu.memref_squeeze %dma_start3A_81 : memref<1x128xi32, #tpu.memory_space<vmem>> -> memref<128xi32, #tpu.memory_space<vmem>>
      %dma_start3A_83 = arith.constant 0 : i32
      %dma_start3A_84 = arith.constant 0 : i32
      %dma_start3A_85 = tpu.memref_slice %arg9[%dma_start3A_83, %dma_start3A_84] : memref<1024x144xf32, #tpu.memory_space<vmem_shared>> -> memref<1024x144xf32, #tpu.memory_space<vmem_shared>>
      tpu.enqueue_indirect_dma source(%arg8 : memref<128x144xf32, #tpu.memory_space<vmem>>) target(%dma_start3A_85 : memref<1024x144xf32, #tpu.memory_space<vmem_shared>>) offsets(%dma_start3A_82 : memref<128xi32, #tpu.memory_space<vmem>>) semaphore(%arg11 : memref<!tpu.dma_semaphore, #tpu.memory_space<semaphore_mem>>) {add = true}
    }
    %scan3A_24 = arith.constant 16 : i32
    %dma_wait3A = arith.constant 0 : i32
    %dma_wait3A_25 = arith.constant 0 : i32
    %dma_wait3A_26 = tpu.memref_slice %arg6[%dma_wait3A, %dma_wait3A_25] : memref<32x128xi32, #tpu.memory_space<vmem>> -> memref<1x128xi32, #tpu.memory_space<vmem>>
    %dma_wait3A_27 = tpu.memref_squeeze %dma_wait3A_26 : memref<1x128xi32, #tpu.memory_space<vmem>> -> memref<128xi32, #tpu.memory_space<vmem>>
    %dma_wait3A_28 = arith.constant 0 : i32
    %dma_wait3A_29 = arith.constant 0 : i32
    %dma_wait3A_30 = tpu.memref_slice %arg9[%dma_wait3A_28, %dma_wait3A_29] : memref<1024x144xf32, #tpu.memory_space<vmem_shared>> -> memref<1024x144xf32, #tpu.memory_space<vmem_shared>>
    tpu.wait_indirect_dma semaphore(%arg11 : memref<!tpu.dma_semaphore, #tpu.memory_space<semaphore_mem>>) src(%arg7 : memref<128x144xf32, #tpu.memory_space<vmem>>) dst(%dma_wait3A_30 : memref<1024x144xf32, #tpu.memory_space<vmem_shared>>)
    %barrier3A_31 = arith.constant 0 : index
    tpu.barrier barrier_id(%barrier3A_31)
    %add3A_32 = arith.constant 0 : i32
    %add3A_33 = arith.addi %mul3A_7, %add3A_32 : i32
    %add3A_34 = arith.constant 0 : i32
    %add3A_35 = arith.addi %mul3A_7, %add3A_34 : i32
    "tpu.region"() ({
      %run_scoped3A_36 = tpu.sem_alloc : memref<!tpu.dma_semaphore, #tpu.memory_space<semaphore_mem>>
      %dma_start3A_37 = arith.constant 0 : i32
      %dma_start3A_38 = tpu.memref_slice %arg4[%arg0, %add3A_35, %dma_start3A_37] : memref<2x1024x144xf32, #tpu.memory_space<hbm>> -> memref<1x64x144xf32, #tpu.memory_space<hbm>>
      %dma_start3A_39 = tpu.memref_squeeze %dma_start3A_38 : memref<1x64x144xf32, #tpu.memory_space<hbm>> -> memref<64x144xf32, #tpu.memory_space<hbm>>
      %dma_start3A_40 = arith.constant 0 : i32
      %dma_start3A_41 = tpu.memref_slice %arg9[%add3A_33, %dma_start3A_40] : memref<1024x144xf32, #tpu.memory_space<vmem_shared>> -> memref<64x144xf32, #tpu.memory_space<vmem_shared>>
      tpu.enqueue_dma source(%dma_start3A_41 : memref<64x144xf32, #tpu.memory_space<vmem_shared>>) target(%dma_start3A_39 : memref<64x144xf32, #tpu.memory_space<hbm>>) target_semaphore(%run_scoped3A_36 : memref<!tpu.dma_semaphore, #tpu.memory_space<semaphore_mem>>)
      %dma_wait3A_42 = arith.constant 0 : i32
      %dma_wait3A_43 = tpu.memref_slice %arg4[%arg0, %add3A_35, %dma_wait3A_42] : memref<2x1024x144xf32, #tpu.memory_space<hbm>> -> memref<1x64x144xf32, #tpu.memory_space<hbm>>
      %dma_wait3A_44 = tpu.memref_squeeze %dma_wait3A_43 : memref<1x64x144xf32, #tpu.memory_space<hbm>> -> memref<64x144xf32, #tpu.memory_space<hbm>>
      %dma_wait3A_45 = arith.constant 0 : i32
      %dma_wait3A_46 = tpu.memref_slice %arg9[%add3A_33, %dma_wait3A_45] : memref<1024x144xf32, #tpu.memory_space<vmem_shared>> -> memref<64x144xf32, #tpu.memory_space<vmem_shared>>
      tpu.wait_dma2 semaphore(%run_scoped3A_36 : memref<!tpu.dma_semaphore, #tpu.memory_space<semaphore_mem>>) src(%dma_wait3A_46 : memref<64x144xf32, #tpu.memory_space<vmem_shared>>) dst(%dma_wait3A_44 : memref<64x144xf32, #tpu.memory_space<hbm>>)
      tpu.yield
    }) : () -> ()
    return
  }
}

#map = affine_map<(d0, d1) -> (0, 0)>
#map1 = affine_map<(d0, d1) -> (0, 0, 0)>
module attributes {stable_mosaic.version = 14 : i64} {
  func.func @seg_kernel(%arg0: i32, %arg1: i32, %arg2: memref<4096x144xf32, #tpu.memory_space<hbm>>, %arg3: memref<2x2560x128xi32, #tpu.memory_space<hbm>>, %arg4: memref<2x1152x144xf32, #tpu.memory_space<hbm>>, %arg5: memref<82x128xi32, #tpu.memory_space<vmem>>, %arg6: memref<82x128xi32, #tpu.memory_space<vmem>>, %arg7: memref<128x144xf32, #tpu.memory_space<vmem>>, %arg8: memref<128x144xf32, #tpu.memory_space<vmem>>, %arg9: memref<1152x144xf32, #tpu.memory_space<vmem_shared>>, %arg10: memref<!tpu.dma_semaphore, #tpu.memory_space<semaphore_mem>>, %arg11: memref<!tpu.dma_semaphore, #tpu.memory_space<semaphore_mem>>) attributes {dimension_semantics = [#tpu.dimension_semantics<core_parallel>, #tpu.dimension_semantics<subcore_parallel>], iteration_bounds = array<i64: 2, 16>, scalar_prefetch = 0 : i64, scratch_operands = 7 : i64, tpu.core_type = #tpu.core_type<sc_vector_subcore>, window_params = [{transform_indices = #map}, {transform_indices = #map1}, {transform_indices = #map1}]} {
    %mul3A = arith.constant 2 : i32
    %mul3A_0 = arith.muli %arg1, %mul3A : i32
    %add3A = arith.addi %mul3A_0, %arg0 : i32
    %scan3A = arith.constant 0 : i32
    %scan3A_1 = arith.constant 0 : i32
    %scan3A_2 = arith.constant 128 : i32
    %scan3A_3 = arith.addi %scan3A_1, %scan3A_2 : i32
    %scan3A_4 = arith.constant 1 : i32
    scf.for %scan3A_749 = %scan3A_1 to %scan3A_3 step %scan3A_4  : i32 {
      %broadcast_in_dim3A_750 = arith.constant 0.000000e+00 : f32
      %broadcast_in_dim3A_751 = vector.broadcast %broadcast_in_dim3A_750 : f32 to vector<16xf32>
      %swap3A = arith.index_cast %scan3A_749 : i32 to index
      %swap3A_752 = arith.constant 0 : index
      %swap3A_753 = tpu.vector_load %arg7[%swap3A, %swap3A_752] {strides = array<i32>} : memref<128x144xf32, #tpu.memory_space<vmem>>, vector<16xf32>,
      tpu.vector_store %arg7[%swap3A, %swap3A_752], %broadcast_in_dim3A_751 {strides = array<i32>} : memref<128x144xf32, #tpu.memory_space<vmem>>, vector<16xf32>,
      %broadcast_in_dim3A_754 = arith.constant 0.000000e+00 : f32
      %broadcast_in_dim3A_755 = vector.broadcast %broadcast_in_dim3A_754 : f32 to vector<16xf32>
      %swap3A_756 = arith.index_cast %scan3A_749 : i32 to index
      %swap3A_757 = arith.constant 16 : index
      %swap3A_758 = tpu.vector_load %arg7[%swap3A_756, %swap3A_757] {strides = array<i32>} : memref<128x144xf32, #tpu.memory_space<vmem>>, vector<16xf32>,
      tpu.vector_store %arg7[%swap3A_756, %swap3A_757], %broadcast_in_dim3A_755 {strides = array<i32>} : memref<128x144xf32, #tpu.memory_space<vmem>>, vector<16xf32>,
      %broadcast_in_dim3A_759 = arith.constant 0.000000e+00 : f32
      %broadcast_in_dim3A_760 = vector.broadcast %broadcast_in_dim3A_759 : f32 to vector<16xf32>
      %swap3A_761 = arith.index_cast %scan3A_749 : i32 to index
      %swap3A_762 = arith.constant 32 : index
      %swap3A_763 = tpu.vector_load %arg7[%swap3A_761, %swap3A_762] {strides = array<i32>} : memref<128x144xf32, #tpu.memory_space<vmem>>, vector<16xf32>,
      tpu.vector_store %arg7[%swap3A_761, %swap3A_762], %broadcast_in_dim3A_760 {strides = array<i32>} : memref<128x144xf32, #tpu.memory_space<vmem>>, vector<16xf32>,
      %broadcast_in_dim3A_764 = arith.constant 0.000000e+00 : f32
      %broadcast_in_dim3A_765 = vector.broadcast %broadcast_in_dim3A_764 : f32 to vector<16xf32>
      %swap3A_766 = arith.index_cast %scan3A_749 : i32 to index
      %swap3A_767 = arith.constant 48 : index
      %swap3A_768 = tpu.vector_load %arg7[%swap3A_766, %swap3A_767] {strides = array<i32>} : memref<128x144xf32, #tpu.memory_space<vmem>>, vector<16xf32>,
      tpu.vector_store %arg7[%swap3A_766, %swap3A_767], %broadcast_in_dim3A_765 {strides = array<i32>} : memref<128x144xf32, #tpu.memory_space<vmem>>, vector<16xf32>,
      %broadcast_in_dim3A_769 = arith.constant 0.000000e+00 : f32
      %broadcast_in_dim3A_770 = vector.broadcast %broadcast_in_dim3A_769 : f32 to vector<16xf32>
      %swap3A_771 = arith.index_cast %scan3A_749 : i32 to index
      %swap3A_772 = arith.constant 64 : index
      %swap3A_773 = tpu.vector_load %arg7[%swap3A_771, %swap3A_772] {strides = array<i32>} : memref<128x144xf32, #tpu.memory_space<vmem>>, vector<16xf32>,
      tpu.vector_store %arg7[%swap3A_771, %swap3A_772], %broadcast_in_dim3A_770 {strides = array<i32>} : memref<128x144xf32, #tpu.memory_space<vmem>>, vector<16xf32>,
      %broadcast_in_dim3A_774 = arith.constant 0.000000e+00 : f32
      %broadcast_in_dim3A_775 = vector.broadcast %broadcast_in_dim3A_774 : f32 to vector<16xf32>
      %swap3A_776 = arith.index_cast %scan3A_749 : i32 to index
      %swap3A_777 = arith.constant 80 : index
      %swap3A_778 = tpu.vector_load %arg7[%swap3A_776, %swap3A_777] {strides = array<i32>} : memref<128x144xf32, #tpu.memory_space<vmem>>, vector<16xf32>,
      tpu.vector_store %arg7[%swap3A_776, %swap3A_777], %broadcast_in_dim3A_775 {strides = array<i32>} : memref<128x144xf32, #tpu.memory_space<vmem>>, vector<16xf32>,
      %broadcast_in_dim3A_779 = arith.constant 0.000000e+00 : f32
      %broadcast_in_dim3A_780 = vector.broadcast %broadcast_in_dim3A_779 : f32 to vector<16xf32>
      %swap3A_781 = arith.index_cast %scan3A_749 : i32 to index
      %swap3A_782 = arith.constant 96 : index
      %swap3A_783 = tpu.vector_load %arg7[%swap3A_781, %swap3A_782] {strides = array<i32>} : memref<128x144xf32, #tpu.memory_space<vmem>>, vector<16xf32>,
      tpu.vector_store %arg7[%swap3A_781, %swap3A_782], %broadcast_in_dim3A_780 {strides = array<i32>} : memref<128x144xf32, #tpu.memory_space<vmem>>, vector<16xf32>,
      %broadcast_in_dim3A_784 = arith.constant 0.000000e+00 : f32
      %broadcast_in_dim3A_785 = vector.broadcast %broadcast_in_dim3A_784 : f32 to vector<16xf32>
      %swap3A_786 = arith.index_cast %scan3A_749 : i32 to index
      %swap3A_787 = arith.constant 112 : index
      %swap3A_788 = tpu.vector_load %arg7[%swap3A_786, %swap3A_787] {strides = array<i32>} : memref<128x144xf32, #tpu.memory_space<vmem>>, vector<16xf32>,
      tpu.vector_store %arg7[%swap3A_786, %swap3A_787], %broadcast_in_dim3A_785 {strides = array<i32>} : memref<128x144xf32, #tpu.memory_space<vmem>>, vector<16xf32>,
      %broadcast_in_dim3A_789 = arith.constant 0.000000e+00 : f32
      %broadcast_in_dim3A_790 = vector.broadcast %broadcast_in_dim3A_789 : f32 to vector<16xf32>
      %swap3A_791 = arith.index_cast %scan3A_749 : i32 to index
      %swap3A_792 = arith.constant 128 : index
      %swap3A_793 = tpu.vector_load %arg7[%swap3A_791, %swap3A_792] {strides = array<i32>} : memref<128x144xf32, #tpu.memory_space<vmem>>, vector<16xf32>,
      tpu.vector_store %arg7[%swap3A_791, %swap3A_792], %broadcast_in_dim3A_790 {strides = array<i32>} : memref<128x144xf32, #tpu.memory_space<vmem>>, vector<16xf32>,
    }
    %scan3A_5 = arith.constant 128 : i32
    %mul3A_6 = arith.constant 72 : i32
    %mul3A_7 = arith.muli %arg1, %mul3A_6 : i32
    %add3A_8 = arith.constant 0 : i32
    %add3A_9 = arith.addi %mul3A_7, %add3A_8 : i32
    "tpu.region"() ({
      %run_scoped3A_749 = tpu.sem_alloc : memref<!tpu.dma_semaphore, #tpu.memory_space<semaphore_mem>>
      %dma_start3A_750 = arith.constant 0 : i32
      %dma_start3A_751 = arith.constant 0 : i32
      %dma_start3A_752 = tpu.memref_slice %arg7[%dma_start3A_750, %dma_start3A_751] : memref<128x144xf32, #tpu.memory_space<vmem>> -> memref<72x144xf32, #tpu.memory_space<vmem>>
      %dma_start3A_753 = arith.constant 0 : i32
      %dma_start3A_754 = tpu.memref_slice %arg9[%add3A_9, %dma_start3A_753] : memref<1152x144xf32, #tpu.memory_space<vmem_shared>> -> memref<72x144xf32, #tpu.memory_space<vmem_shared>>
      %dma_start3A_755 = arith.constant 0 : i32
      %dma_start3A_756 = tpu.memref_slice %arg9[%add3A_9, %dma_start3A_755] : memref<1152x144xf32, #tpu.memory_space<vmem_shared>> -> memref<72x144xf32, #tpu.memory_space<vmem_shared>>
      %dma_start3A_757 = arith.constant 0 : i32
      %dma_start3A_758 = arith.constant 0 : i32
      %dma_start3A_759 = tpu.memref_slice %arg7[%dma_start3A_757, %dma_start3A_758] : memref<128x144xf32, #tpu.memory_space<vmem>> -> memref<72x144xf32, #tpu.memory_space<vmem>>
      tpu.enqueue_dma source(%dma_start3A_759 : memref<72x144xf32, #tpu.memory_space<vmem>>) target(%dma_start3A_756 : memref<72x144xf32, #tpu.memory_space<vmem_shared>>) target_semaphore(%run_scoped3A_749 : memref<!tpu.dma_semaphore, #tpu.memory_space<semaphore_mem>>)
      %dma_wait3A_760 = arith.constant 0 : i32
      %dma_wait3A_761 = arith.constant 0 : i32
      %dma_wait3A_762 = tpu.memref_slice %arg7[%dma_wait3A_760, %dma_wait3A_761] : memref<128x144xf32, #tpu.memory_space<vmem>> -> memref<72x144xf32, #tpu.memory_space<vmem>>
      %dma_wait3A_763 = arith.constant 0 : i32
      %dma_wait3A_764 = tpu.memref_slice %arg9[%add3A_9, %dma_wait3A_763] : memref<1152x144xf32, #tpu.memory_space<vmem_shared>> -> memref<72x144xf32, #tpu.memory_space<vmem_shared>>
      %dma_wait3A_765 = arith.constant 0 : i32
      %dma_wait3A_766 = tpu.memref_slice %arg9[%add3A_9, %dma_wait3A_765] : memref<1152x144xf32, #tpu.memory_space<vmem_shared>> -> memref<72x144xf32, #tpu.memory_space<vmem_shared>>
      %dma_wait3A_767 = arith.constant 0 : i32
      %dma_wait3A_768 = arith.constant 0 : i32
      %dma_wait3A_769 = tpu.memref_slice %arg7[%dma_wait3A_767, %dma_wait3A_768] : memref<128x144xf32, #tpu.memory_space<vmem>> -> memref<72x144xf32, #tpu.memory_space<vmem>>
      tpu.wait_dma2 semaphore(%run_scoped3A_749 : memref<!tpu.dma_semaphore, #tpu.memory_space<semaphore_mem>>) src(%dma_wait3A_769 : memref<72x144xf32, #tpu.memory_space<vmem>>) dst(%dma_wait3A_766 : memref<72x144xf32, #tpu.memory_space<vmem_shared>>)
      tpu.yield
    }) : () -> ()
    %barrier3A = arith.constant 0 : index
    tpu.barrier barrier_id(%barrier3A)
    %mul3A_10 = arith.constant 80 : i32
    %mul3A_11 = arith.muli %add3A, %mul3A_10 : i32
    %run_scoped3A = arith.constant 0 : i32
    "tpu.region"() ({
      %run_scoped3A_749 = tpu.sem_alloc : memref<!tpu.dma_semaphore, #tpu.memory_space<semaphore_mem>>
      %dma_start3A_750 = arith.constant 0 : i32
      %dma_start3A_751 = arith.constant 0 : i32
      %dma_start3A_752 = tpu.memref_slice %arg5[%dma_start3A_750, %dma_start3A_751] : memref<82x128xi32, #tpu.memory_space<vmem>> -> memref<80x128xi32, #tpu.memory_space<vmem>>
      %dma_start3A_753 = arith.constant 0 : i32
      %dma_start3A_754 = tpu.memref_slice %arg3[%run_scoped3A, %mul3A_11, %dma_start3A_753] : memref<2x2560x128xi32, #tpu.memory_space<hbm>> -> memref<1x80x128xi32, #tpu.memory_space<hbm>>
      %dma_start3A_755 = tpu.memref_squeeze %dma_start3A_754 : memref<1x80x128xi32, #tpu.memory_space<hbm>> -> memref<80x128xi32, #tpu.memory_space<hbm>>
      %dma_start3A_756 = arith.constant 0 : i32
      %dma_start3A_757 = arith.constant 0 : i32
      %dma_start3A_758 = tpu.memref_slice %arg5[%dma_start3A_756, %dma_start3A_757] : memref<82x128xi32, #tpu.memory_space<vmem>> -> memref<80x128xi32, #tpu.memory_space<vmem>>
      %dma_start3A_759 = arith.constant 0 : i32
      %dma_start3A_760 = tpu.memref_slice %arg3[%run_scoped3A, %mul3A_11, %dma_start3A_759] : memref<2x2560x128xi32, #tpu.memory_space<hbm>> -> memref<1x80x128xi32, #tpu.memory_space<hbm>>
      %dma_start3A_761 = tpu.memref_squeeze %dma_start3A_760 : memref<1x80x128xi32, #tpu.memory_space<hbm>> -> memref<80x128xi32, #tpu.memory_space<hbm>>
      tpu.enqueue_dma source(%dma_start3A_761 : memref<80x128xi32, #tpu.memory_space<hbm>>) target(%dma_start3A_758 : memref<80x128xi32, #tpu.memory_space<vmem>>) target_semaphore(%run_scoped3A_749 : memref<!tpu.dma_semaphore, #tpu.memory_space<semaphore_mem>>)
      %dma_wait3A_762 = arith.constant 0 : i32
      %dma_wait3A_763 = arith.constant 0 : i32
      %dma_wait3A_764 = tpu.memref_slice %arg5[%dma_wait3A_762, %dma_wait3A_763] : memref<82x128xi32, #tpu.memory_space<vmem>> -> memref<80x128xi32, #tpu.memory_space<vmem>>
      %dma_wait3A_765 = arith.constant 0 : i32
      %dma_wait3A_766 = tpu.memref_slice %arg3[%run_scoped3A, %mul3A_11, %dma_wait3A_765] : memref<2x2560x128xi32, #tpu.memory_space<hbm>> -> memref<1x80x128xi32, #tpu.memory_space<hbm>>
      %dma_wait3A_767 = tpu.memref_squeeze %dma_wait3A_766 : memref<1x80x128xi32, #tpu.memory_space<hbm>> -> memref<80x128xi32, #tpu.memory_space<hbm>>
      %dma_wait3A_768 = arith.constant 0 : i32
      %dma_wait3A_769 = arith.constant 0 : i32
      %dma_wait3A_770 = tpu.memref_slice %arg5[%dma_wait3A_768, %dma_wait3A_769] : memref<82x128xi32, #tpu.memory_space<vmem>> -> memref<80x128xi32, #tpu.memory_space<vmem>>
      %dma_wait3A_771 = arith.constant 0 : i32
      %dma_wait3A_772 = tpu.memref_slice %arg3[%run_scoped3A, %mul3A_11, %dma_wait3A_771] : memref<2x2560x128xi32, #tpu.memory_space<hbm>> -> memref<1x80x128xi32, #tpu.memory_space<hbm>>
      %dma_wait3A_773 = tpu.memref_squeeze %dma_wait3A_772 : memref<1x80x128xi32, #tpu.memory_space<hbm>> -> memref<80x128xi32, #tpu.memory_space<hbm>>
      tpu.wait_dma2 semaphore(%run_scoped3A_749 : memref<!tpu.dma_semaphore, #tpu.memory_space<semaphore_mem>>) src(%dma_wait3A_773 : memref<80x128xi32, #tpu.memory_space<hbm>>) dst(%dma_wait3A_770 : memref<80x128xi32, #tpu.memory_space<vmem>>)
      tpu.yield
    }) : () -> ()
    %run_scoped3A_12 = arith.constant 1 : i32
    "tpu.region"() ({
      %run_scoped3A_749 = tpu.sem_alloc : memref<!tpu.dma_semaphore, #tpu.memory_space<semaphore_mem>>
      %dma_start3A_750 = arith.constant 0 : i32
      %dma_start3A_751 = arith.constant 0 : i32
      %dma_start3A_752 = tpu.memref_slice %arg6[%dma_start3A_750, %dma_start3A_751] : memref<82x128xi32, #tpu.memory_space<vmem>> -> memref<80x128xi32, #tpu.memory_space<vmem>>
      %dma_start3A_753 = arith.constant 0 : i32
      %dma_start3A_754 = tpu.memref_slice %arg3[%run_scoped3A_12, %mul3A_11, %dma_start3A_753] : memref<2x2560x128xi32, #tpu.memory_space<hbm>> -> memref<1x80x128xi32, #tpu.memory_space<hbm>>
      %dma_start3A_755 = tpu.memref_squeeze %dma_start3A_754 : memref<1x80x128xi32, #tpu.memory_space<hbm>> -> memref<80x128xi32, #tpu.memory_space<hbm>>
      %dma_start3A_756 = arith.constant 0 : i32
      %dma_start3A_757 = arith.constant 0 : i32
      %dma_start3A_758 = tpu.memref_slice %arg6[%dma_start3A_756, %dma_start3A_757] : memref<82x128xi32, #tpu.memory_space<vmem>> -> memref<80x128xi32, #tpu.memory_space<vmem>>
      %dma_start3A_759 = arith.constant 0 : i32
      %dma_start3A_760 = tpu.memref_slice %arg3[%run_scoped3A_12, %mul3A_11, %dma_start3A_759] : memref<2x2560x128xi32, #tpu.memory_space<hbm>> -> memref<1x80x128xi32, #tpu.memory_space<hbm>>
      %dma_start3A_761 = tpu.memref_squeeze %dma_start3A_760 : memref<1x80x128xi32, #tpu.memory_space<hbm>> -> memref<80x128xi32, #tpu.memory_space<hbm>>
      tpu.enqueue_dma source(%dma_start3A_761 : memref<80x128xi32, #tpu.memory_space<hbm>>) target(%dma_start3A_758 : memref<80x128xi32, #tpu.memory_space<vmem>>) target_semaphore(%run_scoped3A_749 : memref<!tpu.dma_semaphore, #tpu.memory_space<semaphore_mem>>)
      %dma_wait3A_762 = arith.constant 0 : i32
      %dma_wait3A_763 = arith.constant 0 : i32
      %dma_wait3A_764 = tpu.memref_slice %arg6[%dma_wait3A_762, %dma_wait3A_763] : memref<82x128xi32, #tpu.memory_space<vmem>> -> memref<80x128xi32, #tpu.memory_space<vmem>>
      %dma_wait3A_765 = arith.constant 0 : i32
      %dma_wait3A_766 = tpu.memref_slice %arg3[%run_scoped3A_12, %mul3A_11, %dma_wait3A_765] : memref<2x2560x128xi32, #tpu.memory_space<hbm>> -> memref<1x80x128xi32, #tpu.memory_space<hbm>>
      %dma_wait3A_767 = tpu.memref_squeeze %dma_wait3A_766 : memref<1x80x128xi32, #tpu.memory_space<hbm>> -> memref<80x128xi32, #tpu.memory_space<hbm>>
      %dma_wait3A_768 = arith.constant 0 : i32
      %dma_wait3A_769 = arith.constant 0 : i32
      %dma_wait3A_770 = tpu.memref_slice %arg6[%dma_wait3A_768, %dma_wait3A_769] : memref<82x128xi32, #tpu.memory_space<vmem>> -> memref<80x128xi32, #tpu.memory_space<vmem>>
      %dma_wait3A_771 = arith.constant 0 : i32
      %dma_wait3A_772 = tpu.memref_slice %arg3[%run_scoped3A_12, %mul3A_11, %dma_wait3A_771] : memref<2x2560x128xi32, #tpu.memory_space<hbm>> -> memref<1x80x128xi32, #tpu.memory_space<hbm>>
      %dma_wait3A_773 = tpu.memref_squeeze %dma_wait3A_772 : memref<1x80x128xi32, #tpu.memory_space<hbm>> -> memref<80x128xi32, #tpu.memory_space<hbm>>
      tpu.wait_dma2 semaphore(%run_scoped3A_749 : memref<!tpu.dma_semaphore, #tpu.memory_space<semaphore_mem>>) src(%dma_wait3A_773 : memref<80x128xi32, #tpu.memory_space<hbm>>) dst(%dma_wait3A_770 : memref<80x128xi32, #tpu.memory_space<vmem>>)
      tpu.yield
    }) : () -> ()
    %iota3A = tpu.iota {dimensions = array<i32: 0>} : vector<16xi32>
    %add3A_13 = arith.constant 10480 : i32
    %add3A_14 = vector.broadcast %add3A_13 : i32 to vector<16xi32>
    %add3A_15 = arith.addi %add3A_14, %iota3A : vector<16xi32>
    %broadcast_in_dim3A = arith.constant 0 : i32
    %broadcast_in_dim3A_16 = vector.broadcast %broadcast_in_dim3A : i32 to vector<16xi32>
    %scan3A_17 = arith.constant 0 : i32
    %scan3A_18 = arith.constant 80 : i32
    %scan3A_19 = arith.addi %scan3A_17, %scan3A_18 : i32
    %scan3A_20 = arith.constant 1 : i32
    %scan3A_21 = scf.for %scan3A_749 = %scan3A_17 to %scan3A_19 step %scan3A_20 iter_args(%scan3A_750 = %broadcast_in_dim3A_16) -> (vector<16xi32>)  : i32 {
      %get3A = arith.index_cast %scan3A_749 : i32 to index
      %get3A_751 = arith.constant 0 : index
      %get3A_752 = tpu.vector_load %arg5[%get3A, %get3A_751] {strides = array<i32>} : memref<82x128xi32, #tpu.memory_space<vmem>>, vector<16xi32>,
      %get3A_753 = arith.index_cast %scan3A_749 : i32 to index
      %get3A_754 = arith.constant 0 : index
      %get3A_755 = tpu.vector_load %arg6[%get3A_753, %get3A_754] {strides = array<i32>} : memref<82x128xi32, #tpu.memory_space<vmem>>, vector<16xi32>,
      %lt3A_756 = arith.constant 1024 : i32
      %lt3A_757 = vector.broadcast %lt3A_756 : i32 to vector<16xi32>
      %lt3A_758 = arith.cmpi slt, %get3A_755, %lt3A_757 : vector<16xi32>
      %convert_element_type3A = arith.extui %lt3A_758 : vector<16xi1> to vector<16xi32>
      %all_reduce_population_count3A = tpu.all_reduce %lt3A_758 {dim = 0 : i64, kind = #tpu.reduction_kind<sum>} : vector<16xi1> -> vector<16xi32>
      %broadcast_in_dim3A_759 = arith.constant true
      %broadcast_in_dim3A_760 = vector.broadcast %broadcast_in_dim3A_759 : i1 to vector<16xi1>
      %masked_cumsum3A = tpu.scan <sum>, %convert_element_type3A masked %broadcast_in_dim3A_760 : vector<16xi32>, vector<16xi1> -> vector<16xi32>
      %sub3A_761 = arith.constant 1 : i32
      %sub3A_762 = vector.broadcast %sub3A_761 : i32 to vector<16xi32>
      %sub3A_763 = arith.subi %scan3A_750, %sub3A_762 : vector<16xi32>
      %add3A_764 = arith.addi %masked_cumsum3A, %sub3A_763 : vector<16xi32>
      %select_n3A_765 = arith.select %lt3A_758, %add3A_764, %add3A_15 : vector<16xi1>, vector<16xi32>
      %shift_right_arithmetic3A_766 = arith.constant 7 : i32
      %shift_right_arithmetic3A_767 = vector.broadcast %shift_right_arithmetic3A_766 : i32 to vector<16xi32>
      %shift_right_arithmetic3A_768 = arith.shrsi %select_n3A_765, %shift_right_arithmetic3A_767 : vector<16xi32>
      %and3A_769 = arith.constant 127 : i32
      %and3A_770 = vector.broadcast %and3A_769 : i32 to vector<16xi32>
      %and3A_771 = arith.andi %select_n3A_765, %and3A_770 : vector<16xi32>
      tpu.vector_store_idx %arg5[%shift_right_arithmetic3A_768, %and3A_771], %get3A_752 : memref<82x128xi32, #tpu.memory_space<vmem>>[vector<16xi32>, vector<16xi32>], vector<16xi32>,
      tpu.vector_store_idx %arg6[%shift_right_arithmetic3A_768, %and3A_771], %get3A_755 : memref<82x128xi32, #tpu.memory_space<vmem>>[vector<16xi32>, vector<16xi32>], vector<16xi32>,
      %add3A_772 = arith.addi %scan3A_750, %all_reduce_population_count3A : vector<16xi32>
      %get3A_773 = arith.index_cast %scan3A_749 : i32 to index
      %get3A_774 = arith.constant 16 : index
      %get3A_775 = tpu.vector_load %arg5[%get3A_773, %get3A_774] {strides = array<i32>} : memref<82x128xi32, #tpu.memory_space<vmem>>, vector<16xi32>,
      %get3A_776 = arith.index_cast %scan3A_749 : i32 to index
      %get3A_777 = arith.constant 16 : index
      %get3A_778 = tpu.vector_load %arg6[%get3A_776, %get3A_777] {strides = array<i32>} : memref<82x128xi32, #tpu.memory_space<vmem>>, vector<16xi32>,
      %lt3A_779 = arith.constant 1024 : i32
      %lt3A_780 = vector.broadcast %lt3A_779 : i32 to vector<16xi32>
      %lt3A_781 = arith.cmpi slt, %get3A_778, %lt3A_780 : vector<16xi32>
      %convert_element_type3A_782 = arith.extui %lt3A_781 : vector<16xi1> to vector<16xi32>
      %all_reduce_population_count3A_783 = tpu.all_reduce %lt3A_781 {dim = 0 : i64, kind = #tpu.reduction_kind<sum>} : vector<16xi1> -> vector<16xi32>
      %broadcast_in_dim3A_784 = arith.constant true
      %broadcast_in_dim3A_785 = vector.broadcast %broadcast_in_dim3A_784 : i1 to vector<16xi1>
      %masked_cumsum3A_786 = tpu.scan <sum>, %convert_element_type3A_782 masked %broadcast_in_dim3A_785 : vector<16xi32>, vector<16xi1> -> vector<16xi32>
      %sub3A_787 = arith.constant 1 : i32
      %sub3A_788 = vector.broadcast %sub3A_787 : i32 to vector<16xi32>
      %sub3A_789 = arith.subi %add3A_772, %sub3A_788 : vector<16xi32>
      %add3A_790 = arith.addi %masked_cumsum3A_786, %sub3A_789 : vector<16xi32>
      %select_n3A_791 = arith.select %lt3A_781, %add3A_790, %add3A_15 : vector<16xi1>, vector<16xi32>
      %shift_right_arithmetic3A_792 = arith.constant 7 : i32
      %shift_right_arithmetic3A_793 = vector.broadcast %shift_right_arithmetic3A_792 : i32 to vector<16xi32>
      %shift_right_arithmetic3A_794 = arith.shrsi %select_n3A_791, %shift_right_arithmetic3A_793 : vector<16xi32>
      %and3A_795 = arith.constant 127 : i32
      %and3A_796 = vector.broadcast %and3A_795 : i32 to vector<16xi32>
      %and3A_797 = arith.andi %select_n3A_791, %and3A_796 : vector<16xi32>
      tpu.vector_store_idx %arg5[%shift_right_arithmetic3A_794, %and3A_797], %get3A_775 : memref<82x128xi32, #tpu.memory_space<vmem>>[vector<16xi32>, vector<16xi32>], vector<16xi32>,
      tpu.vector_store_idx %arg6[%shift_right_arithmetic3A_794, %and3A_797], %get3A_778 : memref<82x128xi32, #tpu.memory_space<vmem>>[vector<16xi32>, vector<16xi32>], vector<16xi32>,
      %add3A_798 = arith.addi %add3A_772, %all_reduce_population_count3A_783 : vector<16xi32>
      %get3A_799 = arith.index_cast %scan3A_749 : i32 to index
      %get3A_800 = arith.constant 32 : index
      %get3A_801 = tpu.vector_load %arg5[%get3A_799, %get3A_800] {strides = array<i32>} : memref<82x128xi32, #tpu.memory_space<vmem>>, vector<16xi32>,
      %get3A_802 = arith.index_cast %scan3A_749 : i32 to index
      %get3A_803 = arith.constant 32 : index
      %get3A_804 = tpu.vector_load %arg6[%get3A_802, %get3A_803] {strides = array<i32>} : memref<82x128xi32, #tpu.memory_space<vmem>>, vector<16xi32>,
      %lt3A_805 = arith.constant 1024 : i32
      %lt3A_806 = vector.broadcast %lt3A_805 : i32 to vector<16xi32>
      %lt3A_807 = arith.cmpi slt, %get3A_804, %lt3A_806 : vector<16xi32>
      %convert_element_type3A_808 = arith.extui %lt3A_807 : vector<16xi1> to vector<16xi32>
      %all_reduce_population_count3A_809 = tpu.all_reduce %lt3A_807 {dim = 0 : i64, kind = #tpu.reduction_kind<sum>} : vector<16xi1> -> vector<16xi32>
      %broadcast_in_dim3A_810 = arith.constant true
      %broadcast_in_dim3A_811 = vector.broadcast %broadcast_in_dim3A_810 : i1 to vector<16xi1>
      %masked_cumsum3A_812 = tpu.scan <sum>, %convert_element_type3A_808 masked %broadcast_in_dim3A_811 : vector<16xi32>, vector<16xi1> -> vector<16xi32>
      %sub3A_813 = arith.constant 1 : i32
      %sub3A_814 = vector.broadcast %sub3A_813 : i32 to vector<16xi32>
      %sub3A_815 = arith.subi %add3A_798, %sub3A_814 : vector<16xi32>
      %add3A_816 = arith.addi %masked_cumsum3A_812, %sub3A_815 : vector<16xi32>
      %select_n3A_817 = arith.select %lt3A_807, %add3A_816, %add3A_15 : vector<16xi1>, vector<16xi32>
      %shift_right_arithmetic3A_818 = arith.constant 7 : i32
      %shift_right_arithmetic3A_819 = vector.broadcast %shift_right_arithmetic3A_818 : i32 to vector<16xi32>
      %shift_right_arithmetic3A_820 = arith.shrsi %select_n3A_817, %shift_right_arithmetic3A_819 : vector<16xi32>
      %and3A_821 = arith.constant 127 : i32
      %and3A_822 = vector.broadcast %and3A_821 : i32 to vector<16xi32>
      %and3A_823 = arith.andi %select_n3A_817, %and3A_822 : vector<16xi32>
      tpu.vector_store_idx %arg5[%shift_right_arithmetic3A_820, %and3A_823], %get3A_801 : memref<82x128xi32, #tpu.memory_space<vmem>>[vector<16xi32>, vector<16xi32>], vector<16xi32>,
      tpu.vector_store_idx %arg6[%shift_right_arithmetic3A_820, %and3A_823], %get3A_804 : memref<82x128xi32, #tpu.memory_space<vmem>>[vector<16xi32>, vector<16xi32>], vector<16xi32>,
      %add3A_824 = arith.addi %add3A_798, %all_reduce_population_count3A_809 : vector<16xi32>
      %get3A_825 = arith.index_cast %scan3A_749 : i32 to index
      %get3A_826 = arith.constant 48 : index
      %get3A_827 = tpu.vector_load %arg5[%get3A_825, %get3A_826] {strides = array<i32>} : memref<82x128xi32, #tpu.memory_space<vmem>>, vector<16xi32>,
      %get3A_828 = arith.index_cast %scan3A_749 : i32 to index
      %get3A_829 = arith.constant 48 : index
      %get3A_830 = tpu.vector_load %arg6[%get3A_828, %get3A_829] {strides = array<i32>} : memref<82x128xi32, #tpu.memory_space<vmem>>, vector<16xi32>,
      %lt3A_831 = arith.constant 1024 : i32
      %lt3A_832 = vector.broadcast %lt3A_831 : i32 to vector<16xi32>
      %lt3A_833 = arith.cmpi slt, %get3A_830, %lt3A_832 : vector<16xi32>
      %convert_element_type3A_834 = arith.extui %lt3A_833 : vector<16xi1> to vector<16xi32>
      %all_reduce_population_count3A_835 = tpu.all_reduce %lt3A_833 {dim = 0 : i64, kind = #tpu.reduction_kind<sum>} : vector<16xi1> -> vector<16xi32>
      %broadcast_in_dim3A_836 = arith.constant true
      %broadcast_in_dim3A_837 = vector.broadcast %broadcast_in_dim3A_836 : i1 to vector<16xi1>
      %masked_cumsum3A_838 = tpu.scan <sum>, %convert_element_type3A_834 masked %broadcast_in_dim3A_837 : vector<16xi32>, vector<16xi1> -> vector<16xi32>
      %sub3A_839 = arith.constant 1 : i32
      %sub3A_840 = vector.broadcast %sub3A_839 : i32 to vector<16xi32>
      %sub3A_841 = arith.subi %add3A_824, %sub3A_840 : vector<16xi32>
      %add3A_842 = arith.addi %masked_cumsum3A_838, %sub3A_841 : vector<16xi32>
      %select_n3A_843 = arith.select %lt3A_833, %add3A_842, %add3A_15 : vector<16xi1>, vector<16xi32>
      %shift_right_arithmetic3A_844 = arith.constant 7 : i32
      %shift_right_arithmetic3A_845 = vector.broadcast %shift_right_arithmetic3A_844 : i32 to vector<16xi32>
      %shift_right_arithmetic3A_846 = arith.shrsi %select_n3A_843, %shift_right_arithmetic3A_845 : vector<16xi32>
      %and3A_847 = arith.constant 127 : i32
      %and3A_848 = vector.broadcast %and3A_847 : i32 to vector<16xi32>
      %and3A_849 = arith.andi %select_n3A_843, %and3A_848 : vector<16xi32>
      tpu.vector_store_idx %arg5[%shift_right_arithmetic3A_846, %and3A_849], %get3A_827 : memref<82x128xi32, #tpu.memory_space<vmem>>[vector<16xi32>, vector<16xi32>], vector<16xi32>,
      tpu.vector_store_idx %arg6[%shift_right_arithmetic3A_846, %and3A_849], %get3A_830 : memref<82x128xi32, #tpu.memory_space<vmem>>[vector<16xi32>, vector<16xi32>], vector<16xi32>,
      %add3A_850 = arith.addi %add3A_824, %all_reduce_population_count3A_835 : vector<16xi32>
      %get3A_851 = arith.index_cast %scan3A_749 : i32 to index
      %get3A_852 = arith.constant 64 : index
      %get3A_853 = tpu.vector_load %arg5[%get3A_851, %get3A_852] {strides = array<i32>} : memref<82x128xi32, #tpu.memory_space<vmem>>, vector<16xi32>,
      %get3A_854 = arith.index_cast %scan3A_749 : i32 to index
      %get3A_855 = arith.constant 64 : index
      %get3A_856 = tpu.vector_load %arg6[%get3A_854, %get3A_855] {strides = array<i32>} : memref<82x128xi32, #tpu.memory_space<vmem>>, vector<16xi32>,
      %lt3A_857 = arith.constant 1024 : i32
      %lt3A_858 = vector.broadcast %lt3A_857 : i32 to vector<16xi32>
      %lt3A_859 = arith.cmpi slt, %get3A_856, %lt3A_858 : vector<16xi32>
      %convert_element_type3A_860 = arith.extui %lt3A_859 : vector<16xi1> to vector<16xi32>
      %all_reduce_population_count3A_861 = tpu.all_reduce %lt3A_859 {dim = 0 : i64, kind = #tpu.reduction_kind<sum>} : vector<16xi1> -> vector<16xi32>
      %broadcast_in_dim3A_862 = arith.constant true
      %broadcast_in_dim3A_863 = vector.broadcast %broadcast_in_dim3A_862 : i1 to vector<16xi1>
      %masked_cumsum3A_864 = tpu.scan <sum>, %convert_element_type3A_860 masked %broadcast_in_dim3A_863 : vector<16xi32>, vector<16xi1> -> vector<16xi32>
      %sub3A_865 = arith.constant 1 : i32
      %sub3A_866 = vector.broadcast %sub3A_865 : i32 to vector<16xi32>
      %sub3A_867 = arith.subi %add3A_850, %sub3A_866 : vector<16xi32>
      %add3A_868 = arith.addi %masked_cumsum3A_864, %sub3A_867 : vector<16xi32>
      %select_n3A_869 = arith.select %lt3A_859, %add3A_868, %add3A_15 : vector<16xi1>, vector<16xi32>
      %shift_right_arithmetic3A_870 = arith.constant 7 : i32
      %shift_right_arithmetic3A_871 = vector.broadcast %shift_right_arithmetic3A_870 : i32 to vector<16xi32>
      %shift_right_arithmetic3A_872 = arith.shrsi %select_n3A_869, %shift_right_arithmetic3A_871 : vector<16xi32>
      %and3A_873 = arith.constant 127 : i32
      %and3A_874 = vector.broadcast %and3A_873 : i32 to vector<16xi32>
      %and3A_875 = arith.andi %select_n3A_869, %and3A_874 : vector<16xi32>
      tpu.vector_store_idx %arg5[%shift_right_arithmetic3A_872, %and3A_875], %get3A_853 : memref<82x128xi32, #tpu.memory_space<vmem>>[vector<16xi32>, vector<16xi32>], vector<16xi32>,
      tpu.vector_store_idx %arg6[%shift_right_arithmetic3A_872, %and3A_875], %get3A_856 : memref<82x128xi32, #tpu.memory_space<vmem>>[vector<16xi32>, vector<16xi32>], vector<16xi32>,
      %add3A_876 = arith.addi %add3A_850, %all_reduce_population_count3A_861 : vector<16xi32>
      %get3A_877 = arith.index_cast %scan3A_749 : i32 to index
      %get3A_878 = arith.constant 80 : index
      %get3A_879 = tpu.vector_load %arg5[%get3A_877, %get3A_878] {strides = array<i32>} : memref<82x128xi32, #tpu.memory_space<vmem>>, vector<16xi32>,
      %get3A_880 = arith.index_cast %scan3A_749 : i32 to index
      %get3A_881 = arith.constant 80 : index
      %get3A_882 = tpu.vector_load %arg6[%get3A_880, %get3A_881] {strides = array<i32>} : memref<82x128xi32, #tpu.memory_space<vmem>>, vector<16xi32>,
      %lt3A_883 = arith.constant 1024 : i32
      %lt3A_884 = vector.broadcast %lt3A_883 : i32 to vector<16xi32>
      %lt3A_885 = arith.cmpi slt, %get3A_882, %lt3A_884 : vector<16xi32>
      %convert_element_type3A_886 = arith.extui %lt3A_885 : vector<16xi1> to vector<16xi32>
      %all_reduce_population_count3A_887 = tpu.all_reduce %lt3A_885 {dim = 0 : i64, kind = #tpu.reduction_kind<sum>} : vector<16xi1> -> vector<16xi32>
      %broadcast_in_dim3A_888 = arith.constant true
      %broadcast_in_dim3A_889 = vector.broadcast %broadcast_in_dim3A_888 : i1 to vector<16xi1>
      %masked_cumsum3A_890 = tpu.scan <sum>, %convert_element_type3A_886 masked %broadcast_in_dim3A_889 : vector<16xi32>, vector<16xi1> -> vector<16xi32>
      %sub3A_891 = arith.constant 1 : i32
      %sub3A_892 = vector.broadcast %sub3A_891 : i32 to vector<16xi32>
      %sub3A_893 = arith.subi %add3A_876, %sub3A_892 : vector<16xi32>
      %add3A_894 = arith.addi %masked_cumsum3A_890, %sub3A_893 : vector<16xi32>
      %select_n3A_895 = arith.select %lt3A_885, %add3A_894, %add3A_15 : vector<16xi1>, vector<16xi32>
      %shift_right_arithmetic3A_896 = arith.constant 7 : i32
      %shift_right_arithmetic3A_897 = vector.broadcast %shift_right_arithmetic3A_896 : i32 to vector<16xi32>
      %shift_right_arithmetic3A_898 = arith.shrsi %select_n3A_895, %shift_right_arithmetic3A_897 : vector<16xi32>
      %and3A_899 = arith.constant 127 : i32
      %and3A_900 = vector.broadcast %and3A_899 : i32 to vector<16xi32>
      %and3A_901 = arith.andi %select_n3A_895, %and3A_900 : vector<16xi32>
      tpu.vector_store_idx %arg5[%shift_right_arithmetic3A_898, %and3A_901], %get3A_879 : memref<82x128xi32, #tpu.memory_space<vmem>>[vector<16xi32>, vector<16xi32>], vector<16xi32>,
      tpu.vector_store_idx %arg6[%shift_right_arithmetic3A_898, %and3A_901], %get3A_882 : memref<82x128xi32, #tpu.memory_space<vmem>>[vector<16xi32>, vector<16xi32>], vector<16xi32>,
      %add3A_902 = arith.addi %add3A_876, %all_reduce_population_count3A_887 : vector<16xi32>
      %get3A_903 = arith.index_cast %scan3A_749 : i32 to index
      %get3A_904 = arith.constant 96 : index
      %get3A_905 = tpu.vector_load %arg5[%get3A_903, %get3A_904] {strides = array<i32>} : memref<82x128xi32, #tpu.memory_space<vmem>>, vector<16xi32>,
      %get3A_906 = arith.index_cast %scan3A_749 : i32 to index
      %get3A_907 = arith.constant 96 : index
      %get3A_908 = tpu.vector_load %arg6[%get3A_906, %get3A_907] {strides = array<i32>} : memref<82x128xi32, #tpu.memory_space<vmem>>, vector<16xi32>,
      %lt3A_909 = arith.constant 1024 : i32
      %lt3A_910 = vector.broadcast %lt3A_909 : i32 to vector<16xi32>
      %lt3A_911 = arith.cmpi slt, %get3A_908, %lt3A_910 : vector<16xi32>
      %convert_element_type3A_912 = arith.extui %lt3A_911 : vector<16xi1> to vector<16xi32>
      %all_reduce_population_count3A_913 = tpu.all_reduce %lt3A_911 {dim = 0 : i64, kind = #tpu.reduction_kind<sum>} : vector<16xi1> -> vector<16xi32>
      %broadcast_in_dim3A_914 = arith.constant true
      %broadcast_in_dim3A_915 = vector.broadcast %broadcast_in_dim3A_914 : i1 to vector<16xi1>
      %masked_cumsum3A_916 = tpu.scan <sum>, %convert_element_type3A_912 masked %broadcast_in_dim3A_915 : vector<16xi32>, vector<16xi1> -> vector<16xi32>
      %sub3A_917 = arith.constant 1 : i32
      %sub3A_918 = vector.broadcast %sub3A_917 : i32 to vector<16xi32>
      %sub3A_919 = arith.subi %add3A_902, %sub3A_918 : vector<16xi32>
      %add3A_920 = arith.addi %masked_cumsum3A_916, %sub3A_919 : vector<16xi32>
      %select_n3A_921 = arith.select %lt3A_911, %add3A_920, %add3A_15 : vector<16xi1>, vector<16xi32>
      %shift_right_arithmetic3A_922 = arith.constant 7 : i32
      %shift_right_arithmetic3A_923 = vector.broadcast %shift_right_arithmetic3A_922 : i32 to vector<16xi32>
      %shift_right_arithmetic3A_924 = arith.shrsi %select_n3A_921, %shift_right_arithmetic3A_923 : vector<16xi32>
      %and3A_925 = arith.constant 127 : i32
      %and3A_926 = vector.broadcast %and3A_925 : i32 to vector<16xi32>
      %and3A_927 = arith.andi %select_n3A_921, %and3A_926 : vector<16xi32>
      tpu.vector_store_idx %arg5[%shift_right_arithmetic3A_924, %and3A_927], %get3A_905 : memref<82x128xi32, #tpu.memory_space<vmem>>[vector<16xi32>, vector<16xi32>], vector<16xi32>,
      tpu.vector_store_idx %arg6[%shift_right_arithmetic3A_924, %and3A_927], %get3A_908 : memref<82x128xi32, #tpu.memory_space<vmem>>[vector<16xi32>, vector<16xi32>], vector<16xi32>,
      %add3A_928 = arith.addi %add3A_902, %all_reduce_population_count3A_913 : vector<16xi32>
      %get3A_929 = arith.index_cast %scan3A_749 : i32 to index
      %get3A_930 = arith.constant 112 : index
      %get3A_931 = tpu.vector_load %arg5[%get3A_929, %get3A_930] {strides = array<i32>} : memref<82x128xi32, #tpu.memory_space<vmem>>, vector<16xi32>,
      %get3A_932 = arith.index_cast %scan3A_749 : i32 to index
      %get3A_933 = arith.constant 112 : index
      %get3A_934 = tpu.vector_load %arg6[%get3A_932, %get3A_933] {strides = array<i32>} : memref<82x128xi32, #tpu.memory_space<vmem>>, vector<16xi32>,
      %lt3A_935 = arith.constant 1024 : i32
      %lt3A_936 = vector.broadcast %lt3A_935 : i32 to vector<16xi32>
      %lt3A_937 = arith.cmpi slt, %get3A_934, %lt3A_936 : vector<16xi32>
      %convert_element_type3A_938 = arith.extui %lt3A_937 : vector<16xi1> to vector<16xi32>
      %all_reduce_population_count3A_939 = tpu.all_reduce %lt3A_937 {dim = 0 : i64, kind = #tpu.reduction_kind<sum>} : vector<16xi1> -> vector<16xi32>
      %broadcast_in_dim3A_940 = arith.constant true
      %broadcast_in_dim3A_941 = vector.broadcast %broadcast_in_dim3A_940 : i1 to vector<16xi1>
      %masked_cumsum3A_942 = tpu.scan <sum>, %convert_element_type3A_938 masked %broadcast_in_dim3A_941 : vector<16xi32>, vector<16xi1> -> vector<16xi32>
      %sub3A_943 = arith.constant 1 : i32
      %sub3A_944 = vector.broadcast %sub3A_943 : i32 to vector<16xi32>
      %sub3A_945 = arith.subi %add3A_928, %sub3A_944 : vector<16xi32>
      %add3A_946 = arith.addi %masked_cumsum3A_942, %sub3A_945 : vector<16xi32>
      %select_n3A_947 = arith.select %lt3A_937, %add3A_946, %add3A_15 : vector<16xi1>, vector<16xi32>
      %shift_right_arithmetic3A_948 = arith.constant 7 : i32
      %shift_right_arithmetic3A_949 = vector.broadcast %shift_right_arithmetic3A_948 : i32 to vector<16xi32>
      %shift_right_arithmetic3A_950 = arith.shrsi %select_n3A_947, %shift_right_arithmetic3A_949 : vector<16xi32>
      %and3A_951 = arith.constant 127 : i32
      %and3A_952 = vector.broadcast %and3A_951 : i32 to vector<16xi32>
      %and3A_953 = arith.andi %select_n3A_947, %and3A_952 : vector<16xi32>
      tpu.vector_store_idx %arg5[%shift_right_arithmetic3A_950, %and3A_953], %get3A_931 : memref<82x128xi32, #tpu.memory_space<vmem>>[vector<16xi32>, vector<16xi32>], vector<16xi32>,
      tpu.vector_store_idx %arg6[%shift_right_arithmetic3A_950, %and3A_953], %get3A_934 : memref<82x128xi32, #tpu.memory_space<vmem>>[vector<16xi32>, vector<16xi32>], vector<16xi32>,
      %add3A_954 = arith.addi %add3A_928, %all_reduce_population_count3A_939 : vector<16xi32>
      scf.yield %add3A_954 : vector<16xi32>
    }
    %scan3A_22 = arith.constant 80 : i32
    %slice3A = vector.extract_strided_slice %scan3A_21 {offsets = [0], sizes = [1], strides = [1]} : vector<16xi32> to vector<1xi32>
    %squeeze3A = vector.extract %slice3A[0] : i32 from vector<1xi32>
    %add3A_23 = arith.constant 0 : i32
    %add3A_24 = arith.addi %squeeze3A, %add3A_23 : i32
    %add3A_25 = vector.broadcast %add3A_24 : i32 to vector<16xi32>
    %add3A_26 = arith.addi %add3A_25, %iota3A : vector<16xi32>
    %shift_right_arithmetic3A = arith.constant 7 : i32
    %shift_right_arithmetic3A_27 = vector.broadcast %shift_right_arithmetic3A : i32 to vector<16xi32>
    %shift_right_arithmetic3A_28 = arith.shrsi %add3A_26, %shift_right_arithmetic3A_27 : vector<16xi32>
    %and3A = arith.constant 127 : i32
    %and3A_29 = vector.broadcast %and3A : i32 to vector<16xi32>
    %and3A_30 = arith.andi %add3A_26, %and3A_29 : vector<16xi32>
    %add3A_31 = arith.constant 0 : i32
    %add3A_32 = vector.broadcast %add3A_31 : i32 to vector<16xi32>
    %add3A_33 = arith.addi %add3A_32, %iota3A : vector<16xi32>
    tpu.vector_store_idx %arg5[%shift_right_arithmetic3A_28, %and3A_30], %add3A_33 : memref<82x128xi32, #tpu.memory_space<vmem>>[vector<16xi32>, vector<16xi32>], vector<16xi32>,
    %add3A_34 = arith.constant 0 : i32
    %add3A_35 = vector.broadcast %add3A_34 : i32 to vector<16xi32>
    %add3A_36 = arith.addi %add3A_35, %iota3A : vector<16xi32>
    %jit3A = arith.constant 128 : i32
    %eq3A = arith.constant 0 : i32
    %eq3A_37 = arith.cmpi eq, %jit3A, %eq3A : i32
    %jit3A_38 = arith.constant 1 : i32
    %select_n3A = arith.select %eq3A_37, %jit3A_38, %jit3A : i32
    %rem3A = vector.broadcast %select_n3A : i32 to vector<16xi32>
    %rem3A_39 = arith.remsi %add3A_36, %rem3A : vector<16xi32>
    %ne3A = arith.constant 0 : i32
    %ne3A_40 = vector.broadcast %ne3A : i32 to vector<16xi32>
    %ne3A_41 = arith.cmpi ne, %rem3A_39, %ne3A_40 : vector<16xi32>
    %lt3A = arith.constant 0 : i32
    %lt3A_42 = vector.broadcast %lt3A : i32 to vector<16xi32>
    %lt3A_43 = arith.cmpi slt, %rem3A_39, %lt3A_42 : vector<16xi32>
    %lt3A_44 = arith.constant 0 : i32
    %lt3A_45 = arith.cmpi slt, %select_n3A, %lt3A_44 : i32
    %ne3A_46 = vector.broadcast %lt3A_45 : i1 to vector<16xi1>
    %ne3A_47 = vector.broadcast %ne3A_46 : vector<16xi1> to vector<16xi1>
    %ne3A_48 = arith.xori %lt3A_43, %ne3A_47 : vector<16xi1>
    %and3A_49 = arith.andi %ne3A_48, %ne3A_41 : vector<16xi1>
    %add3A_50 = vector.broadcast %select_n3A : i32 to vector<16xi32>
    %add3A_51 = arith.addi %rem3A_39, %add3A_50 : vector<16xi32>
    %select_n3A_52 = arith.select %and3A_49, %add3A_51, %rem3A_39 : vector<16xi1>, vector<16xi32>
    %add3A_53 = arith.constant 1024 : i32
    %add3A_54 = vector.broadcast %add3A_53 : i32 to vector<16xi32>
    %add3A_55 = arith.addi %add3A_54, %select_n3A_52 : vector<16xi32>
    tpu.vector_store_idx %arg6[%shift_right_arithmetic3A_28, %and3A_30], %add3A_55 : memref<82x128xi32, #tpu.memory_space<vmem>>[vector<16xi32>, vector<16xi32>], vector<16xi32>,
    %add3A_56 = arith.constant 16 : i32
    %add3A_57 = arith.addi %squeeze3A, %add3A_56 : i32
    %add3A_58 = vector.broadcast %add3A_57 : i32 to vector<16xi32>
    %add3A_59 = arith.addi %add3A_58, %iota3A : vector<16xi32>
    %shift_right_arithmetic3A_60 = arith.constant 7 : i32
    %shift_right_arithmetic3A_61 = vector.broadcast %shift_right_arithmetic3A_60 : i32 to vector<16xi32>
    %shift_right_arithmetic3A_62 = arith.shrsi %add3A_59, %shift_right_arithmetic3A_61 : vector<16xi32>
    %and3A_63 = arith.constant 127 : i32
    %and3A_64 = vector.broadcast %and3A_63 : i32 to vector<16xi32>
    %and3A_65 = arith.andi %add3A_59, %and3A_64 : vector<16xi32>
    %add3A_66 = arith.constant 16 : i32
    %add3A_67 = vector.broadcast %add3A_66 : i32 to vector<16xi32>
    %add3A_68 = arith.addi %add3A_67, %iota3A : vector<16xi32>
    tpu.vector_store_idx %arg5[%shift_right_arithmetic3A_62, %and3A_65], %add3A_68 : memref<82x128xi32, #tpu.memory_space<vmem>>[vector<16xi32>, vector<16xi32>], vector<16xi32>,
    %add3A_69 = arith.constant 16 : i32
    %add3A_70 = vector.broadcast %add3A_69 : i32 to vector<16xi32>
    %add3A_71 = arith.addi %add3A_70, %iota3A : vector<16xi32>
    %jit3A_72 = arith.constant 128 : i32
    %eq3A_73 = arith.constant 0 : i32
    %eq3A_74 = arith.cmpi eq, %jit3A_72, %eq3A_73 : i32
    %jit3A_75 = arith.constant 1 : i32
    %select_n3A_76 = arith.select %eq3A_74, %jit3A_75, %jit3A_72 : i32
    %rem3A_77 = vector.broadcast %select_n3A_76 : i32 to vector<16xi32>
    %rem3A_78 = arith.remsi %add3A_71, %rem3A_77 : vector<16xi32>
    %ne3A_79 = arith.constant 0 : i32
    %ne3A_80 = vector.broadcast %ne3A_79 : i32 to vector<16xi32>
    %ne3A_81 = arith.cmpi ne, %rem3A_78, %ne3A_80 : vector<16xi32>
    %lt3A_82 = arith.constant 0 : i32
    %lt3A_83 = vector.broadcast %lt3A_82 : i32 to vector<16xi32>
    %lt3A_84 = arith.cmpi slt, %rem3A_78, %lt3A_83 : vector<16xi32>
    %lt3A_85 = arith.constant 0 : i32
    %lt3A_86 = arith.cmpi slt, %select_n3A_76, %lt3A_85 : i32
    %ne3A_87 = vector.broadcast %lt3A_86 : i1 to vector<16xi1>
    %ne3A_88 = vector.broadcast %ne3A_87 : vector<16xi1> to vector<16xi1>
    %ne3A_89 = arith.xori %lt3A_84, %ne3A_88 : vector<16xi1>
    %and3A_90 = arith.andi %ne3A_89, %ne3A_81 : vector<16xi1>
    %add3A_91 = vector.broadcast %select_n3A_76 : i32 to vector<16xi32>
    %add3A_92 = arith.addi %rem3A_78, %add3A_91 : vector<16xi32>
    %select_n3A_93 = arith.select %and3A_90, %add3A_92, %rem3A_78 : vector<16xi1>, vector<16xi32>
    %add3A_94 = arith.constant 1024 : i32
    %add3A_95 = vector.broadcast %add3A_94 : i32 to vector<16xi32>
    %add3A_96 = arith.addi %add3A_95, %select_n3A_93 : vector<16xi32>
    tpu.vector_store_idx %arg6[%shift_right_arithmetic3A_62, %and3A_65], %add3A_96 : memref<82x128xi32, #tpu.memory_space<vmem>>[vector<16xi32>, vector<16xi32>], vector<16xi32>,
    %add3A_97 = arith.constant 32 : i32
    %add3A_98 = arith.addi %squeeze3A, %add3A_97 : i32
    %add3A_99 = vector.broadcast %add3A_98 : i32 to vector<16xi32>
    %add3A_100 = arith.addi %add3A_99, %iota3A : vector<16xi32>
    %shift_right_arithmetic3A_101 = arith.constant 7 : i32
    %shift_right_arithmetic3A_102 = vector.broadcast %shift_right_arithmetic3A_101 : i32 to vector<16xi32>
    %shift_right_arithmetic3A_103 = arith.shrsi %add3A_100, %shift_right_arithmetic3A_102 : vector<16xi32>
    %and3A_104 = arith.constant 127 : i32
    %and3A_105 = vector.broadcast %and3A_104 : i32 to vector<16xi32>
    %and3A_106 = arith.andi %add3A_100, %and3A_105 : vector<16xi32>
    %add3A_107 = arith.constant 32 : i32
    %add3A_108 = vector.broadcast %add3A_107 : i32 to vector<16xi32>
    %add3A_109 = arith.addi %add3A_108, %iota3A : vector<16xi32>
    tpu.vector_store_idx %arg5[%shift_right_arithmetic3A_103, %and3A_106], %add3A_109 : memref<82x128xi32, #tpu.memory_space<vmem>>[vector<16xi32>, vector<16xi32>], vector<16xi32>,
    %add3A_110 = arith.constant 32 : i32
    %add3A_111 = vector.broadcast %add3A_110 : i32 to vector<16xi32>
    %add3A_112 = arith.addi %add3A_111, %iota3A : vector<16xi32>
    %jit3A_113 = arith.constant 128 : i32
    %eq3A_114 = arith.constant 0 : i32
    %eq3A_115 = arith.cmpi eq, %jit3A_113, %eq3A_114 : i32
    %jit3A_116 = arith.constant 1 : i32
    %select_n3A_117 = arith.select %eq3A_115, %jit3A_116, %jit3A_113 : i32
    %rem3A_118 = vector.broadcast %select_n3A_117 : i32 to vector<16xi32>
    %rem3A_119 = arith.remsi %add3A_112, %rem3A_118 : vector<16xi32>
    %ne3A_120 = arith.constant 0 : i32
    %ne3A_121 = vector.broadcast %ne3A_120 : i32 to vector<16xi32>
    %ne3A_122 = arith.cmpi ne, %rem3A_119, %ne3A_121 : vector<16xi32>
    %lt3A_123 = arith.constant 0 : i32
    %lt3A_124 = vector.broadcast %lt3A_123 : i32 to vector<16xi32>
    %lt3A_125 = arith.cmpi slt, %rem3A_119, %lt3A_124 : vector<16xi32>
    %lt3A_126 = arith.constant 0 : i32
    %lt3A_127 = arith.cmpi slt, %select_n3A_117, %lt3A_126 : i32
    %ne3A_128 = vector.broadcast %lt3A_127 : i1 to vector<16xi1>
    %ne3A_129 = vector.broadcast %ne3A_128 : vector<16xi1> to vector<16xi1>
    %ne3A_130 = arith.xori %lt3A_125, %ne3A_129 : vector<16xi1>
    %and3A_131 = arith.andi %ne3A_130, %ne3A_122 : vector<16xi1>
    %add3A_132 = vector.broadcast %select_n3A_117 : i32 to vector<16xi32>
    %add3A_133 = arith.addi %rem3A_119, %add3A_132 : vector<16xi32>
    %select_n3A_134 = arith.select %and3A_131, %add3A_133, %rem3A_119 : vector<16xi1>, vector<16xi32>
    %add3A_135 = arith.constant 1024 : i32
    %add3A_136 = vector.broadcast %add3A_135 : i32 to vector<16xi32>
    %add3A_137 = arith.addi %add3A_136, %select_n3A_134 : vector<16xi32>
    tpu.vector_store_idx %arg6[%shift_right_arithmetic3A_103, %and3A_106], %add3A_137 : memref<82x128xi32, #tpu.memory_space<vmem>>[vector<16xi32>, vector<16xi32>], vector<16xi32>,
    %add3A_138 = arith.constant 48 : i32
    %add3A_139 = arith.addi %squeeze3A, %add3A_138 : i32
    %add3A_140 = vector.broadcast %add3A_139 : i32 to vector<16xi32>
    %add3A_141 = arith.addi %add3A_140, %iota3A : vector<16xi32>
    %shift_right_arithmetic3A_142 = arith.constant 7 : i32
    %shift_right_arithmetic3A_143 = vector.broadcast %shift_right_arithmetic3A_142 : i32 to vector<16xi32>
    %shift_right_arithmetic3A_144 = arith.shrsi %add3A_141, %shift_right_arithmetic3A_143 : vector<16xi32>
    %and3A_145 = arith.constant 127 : i32
    %and3A_146 = vector.broadcast %and3A_145 : i32 to vector<16xi32>
    %and3A_147 = arith.andi %add3A_141, %and3A_146 : vector<16xi32>
    %add3A_148 = arith.constant 48 : i32
    %add3A_149 = vector.broadcast %add3A_148 : i32 to vector<16xi32>
    %add3A_150 = arith.addi %add3A_149, %iota3A : vector<16xi32>
    tpu.vector_store_idx %arg5[%shift_right_arithmetic3A_144, %and3A_147], %add3A_150 : memref<82x128xi32, #tpu.memory_space<vmem>>[vector<16xi32>, vector<16xi32>], vector<16xi32>,
    %add3A_151 = arith.constant 48 : i32
    %add3A_152 = vector.broadcast %add3A_151 : i32 to vector<16xi32>
    %add3A_153 = arith.addi %add3A_152, %iota3A : vector<16xi32>
    %jit3A_154 = arith.constant 128 : i32
    %eq3A_155 = arith.constant 0 : i32
    %eq3A_156 = arith.cmpi eq, %jit3A_154, %eq3A_155 : i32
    %jit3A_157 = arith.constant 1 : i32
    %select_n3A_158 = arith.select %eq3A_156, %jit3A_157, %jit3A_154 : i32
    %rem3A_159 = vector.broadcast %select_n3A_158 : i32 to vector<16xi32>
    %rem3A_160 = arith.remsi %add3A_153, %rem3A_159 : vector<16xi32>
    %ne3A_161 = arith.constant 0 : i32
    %ne3A_162 = vector.broadcast %ne3A_161 : i32 to vector<16xi32>
    %ne3A_163 = arith.cmpi ne, %rem3A_160, %ne3A_162 : vector<16xi32>
    %lt3A_164 = arith.constant 0 : i32
    %lt3A_165 = vector.broadcast %lt3A_164 : i32 to vector<16xi32>
    %lt3A_166 = arith.cmpi slt, %rem3A_160, %lt3A_165 : vector<16xi32>
    %lt3A_167 = arith.constant 0 : i32
    %lt3A_168 = arith.cmpi slt, %select_n3A_158, %lt3A_167 : i32
    %ne3A_169 = vector.broadcast %lt3A_168 : i1 to vector<16xi1>
    %ne3A_170 = vector.broadcast %ne3A_169 : vector<16xi1> to vector<16xi1>
    %ne3A_171 = arith.xori %lt3A_166, %ne3A_170 : vector<16xi1>
    %and3A_172 = arith.andi %ne3A_171, %ne3A_163 : vector<16xi1>
    %add3A_173 = vector.broadcast %select_n3A_158 : i32 to vector<16xi32>
    %add3A_174 = arith.addi %rem3A_160, %add3A_173 : vector<16xi32>
    %select_n3A_175 = arith.select %and3A_172, %add3A_174, %rem3A_160 : vector<16xi1>, vector<16xi32>
    %add3A_176 = arith.constant 1024 : i32
    %add3A_177 = vector.broadcast %add3A_176 : i32 to vector<16xi32>
    %add3A_178 = arith.addi %add3A_177, %select_n3A_175 : vector<16xi32>
    tpu.vector_store_idx %arg6[%shift_right_arithmetic3A_144, %and3A_147], %add3A_178 : memref<82x128xi32, #tpu.memory_space<vmem>>[vector<16xi32>, vector<16xi32>], vector<16xi32>,
    %add3A_179 = arith.constant 64 : i32
    %add3A_180 = arith.addi %squeeze3A, %add3A_179 : i32
    %add3A_181 = vector.broadcast %add3A_180 : i32 to vector<16xi32>
    %add3A_182 = arith.addi %add3A_181, %iota3A : vector<16xi32>
    %shift_right_arithmetic3A_183 = arith.constant 7 : i32
    %shift_right_arithmetic3A_184 = vector.broadcast %shift_right_arithmetic3A_183 : i32 to vector<16xi32>
    %shift_right_arithmetic3A_185 = arith.shrsi %add3A_182, %shift_right_arithmetic3A_184 : vector<16xi32>
    %and3A_186 = arith.constant 127 : i32
    %and3A_187 = vector.broadcast %and3A_186 : i32 to vector<16xi32>
    %and3A_188 = arith.andi %add3A_182, %and3A_187 : vector<16xi32>
    %add3A_189 = arith.constant 64 : i32
    %add3A_190 = vector.broadcast %add3A_189 : i32 to vector<16xi32>
    %add3A_191 = arith.addi %add3A_190, %iota3A : vector<16xi32>
    tpu.vector_store_idx %arg5[%shift_right_arithmetic3A_185, %and3A_188], %add3A_191 : memref<82x128xi32, #tpu.memory_space<vmem>>[vector<16xi32>, vector<16xi32>], vector<16xi32>,
    %add3A_192 = arith.constant 64 : i32
    %add3A_193 = vector.broadcast %add3A_192 : i32 to vector<16xi32>
    %add3A_194 = arith.addi %add3A_193, %iota3A : vector<16xi32>
    %jit3A_195 = arith.constant 128 : i32
    %eq3A_196 = arith.constant 0 : i32
    %eq3A_197 = arith.cmpi eq, %jit3A_195, %eq3A_196 : i32
    %jit3A_198 = arith.constant 1 : i32
    %select_n3A_199 = arith.select %eq3A_197, %jit3A_198, %jit3A_195 : i32
    %rem3A_200 = vector.broadcast %select_n3A_199 : i32 to vector<16xi32>
    %rem3A_201 = arith.remsi %add3A_194, %rem3A_200 : vector<16xi32>
    %ne3A_202 = arith.constant 0 : i32
    %ne3A_203 = vector.broadcast %ne3A_202 : i32 to vector<16xi32>
    %ne3A_204 = arith.cmpi ne, %rem3A_201, %ne3A_203 : vector<16xi32>
    %lt3A_205 = arith.constant 0 : i32
    %lt3A_206 = vector.broadcast %lt3A_205 : i32 to vector<16xi32>
    %lt3A_207 = arith.cmpi slt, %rem3A_201, %lt3A_206 : vector<16xi32>
    %lt3A_208 = arith.constant 0 : i32
    %lt3A_209 = arith.cmpi slt, %select_n3A_199, %lt3A_208 : i32
    %ne3A_210 = vector.broadcast %lt3A_209 : i1 to vector<16xi1>
    %ne3A_211 = vector.broadcast %ne3A_210 : vector<16xi1> to vector<16xi1>
    %ne3A_212 = arith.xori %lt3A_207, %ne3A_211 : vector<16xi1>
    %and3A_213 = arith.andi %ne3A_212, %ne3A_204 : vector<16xi1>
    %add3A_214 = vector.broadcast %select_n3A_199 : i32 to vector<16xi32>
    %add3A_215 = arith.addi %rem3A_201, %add3A_214 : vector<16xi32>
    %select_n3A_216 = arith.select %and3A_213, %add3A_215, %rem3A_201 : vector<16xi1>, vector<16xi32>
    %add3A_217 = arith.constant 1024 : i32
    %add3A_218 = vector.broadcast %add3A_217 : i32 to vector<16xi32>
    %add3A_219 = arith.addi %add3A_218, %select_n3A_216 : vector<16xi32>
    tpu.vector_store_idx %arg6[%shift_right_arithmetic3A_185, %and3A_188], %add3A_219 : memref<82x128xi32, #tpu.memory_space<vmem>>[vector<16xi32>, vector<16xi32>], vector<16xi32>,
    %add3A_220 = arith.constant 80 : i32
    %add3A_221 = arith.addi %squeeze3A, %add3A_220 : i32
    %add3A_222 = vector.broadcast %add3A_221 : i32 to vector<16xi32>
    %add3A_223 = arith.addi %add3A_222, %iota3A : vector<16xi32>
    %shift_right_arithmetic3A_224 = arith.constant 7 : i32
    %shift_right_arithmetic3A_225 = vector.broadcast %shift_right_arithmetic3A_224 : i32 to vector<16xi32>
    %shift_right_arithmetic3A_226 = arith.shrsi %add3A_223, %shift_right_arithmetic3A_225 : vector<16xi32>
    %and3A_227 = arith.constant 127 : i32
    %and3A_228 = vector.broadcast %and3A_227 : i32 to vector<16xi32>
    %and3A_229 = arith.andi %add3A_223, %and3A_228 : vector<16xi32>
    %add3A_230 = arith.constant 80 : i32
    %add3A_231 = vector.broadcast %add3A_230 : i32 to vector<16xi32>
    %add3A_232 = arith.addi %add3A_231, %iota3A : vector<16xi32>
    tpu.vector_store_idx %arg5[%shift_right_arithmetic3A_226, %and3A_229], %add3A_232 : memref<82x128xi32, #tpu.memory_space<vmem>>[vector<16xi32>, vector<16xi32>], vector<16xi32>,
    %add3A_233 = arith.constant 80 : i32
    %add3A_234 = vector.broadcast %add3A_233 : i32 to vector<16xi32>
    %add3A_235 = arith.addi %add3A_234, %iota3A : vector<16xi32>
    %jit3A_236 = arith.constant 128 : i32
    %eq3A_237 = arith.constant 0 : i32
    %eq3A_238 = arith.cmpi eq, %jit3A_236, %eq3A_237 : i32
    %jit3A_239 = arith.constant 1 : i32
    %select_n3A_240 = arith.select %eq3A_238, %jit3A_239, %jit3A_236 : i32
    %rem3A_241 = vector.broadcast %select_n3A_240 : i32 to vector<16xi32>
    %rem3A_242 = arith.remsi %add3A_235, %rem3A_241 : vector<16xi32>
    %ne3A_243 = arith.constant 0 : i32
    %ne3A_244 = vector.broadcast %ne3A_243 : i32 to vector<16xi32>
    %ne3A_245 = arith.cmpi ne, %rem3A_242, %ne3A_244 : vector<16xi32>
    %lt3A_246 = arith.constant 0 : i32
    %lt3A_247 = vector.broadcast %lt3A_246 : i32 to vector<16xi32>
    %lt3A_248 = arith.cmpi slt, %rem3A_242, %lt3A_247 : vector<16xi32>
    %lt3A_249 = arith.constant 0 : i32
    %lt3A_250 = arith.cmpi slt, %select_n3A_240, %lt3A_249 : i32
    %ne3A_251 = vector.broadcast %lt3A_250 : i1 to vector<16xi1>
    %ne3A_252 = vector.broadcast %ne3A_251 : vector<16xi1> to vector<16xi1>
    %ne3A_253 = arith.xori %lt3A_248, %ne3A_252 : vector<16xi1>
    %and3A_254 = arith.andi %ne3A_253, %ne3A_245 : vector<16xi1>
    %add3A_255 = vector.broadcast %select_n3A_240 : i32 to vector<16xi32>
    %add3A_256 = arith.addi %rem3A_242, %add3A_255 : vector<16xi32>
    %select_n3A_257 = arith.select %and3A_254, %add3A_256, %rem3A_242 : vector<16xi1>, vector<16xi32>
    %add3A_258 = arith.constant 1024 : i32
    %add3A_259 = vector.broadcast %add3A_258 : i32 to vector<16xi32>
    %add3A_260 = arith.addi %add3A_259, %select_n3A_257 : vector<16xi32>
    tpu.vector_store_idx %arg6[%shift_right_arithmetic3A_226, %and3A_229], %add3A_260 : memref<82x128xi32, #tpu.memory_space<vmem>>[vector<16xi32>, vector<16xi32>], vector<16xi32>,
    %add3A_261 = arith.constant 96 : i32
    %add3A_262 = arith.addi %squeeze3A, %add3A_261 : i32
    %add3A_263 = vector.broadcast %add3A_262 : i32 to vector<16xi32>
    %add3A_264 = arith.addi %add3A_263, %iota3A : vector<16xi32>
    %shift_right_arithmetic3A_265 = arith.constant 7 : i32
    %shift_right_arithmetic3A_266 = vector.broadcast %shift_right_arithmetic3A_265 : i32 to vector<16xi32>
    %shift_right_arithmetic3A_267 = arith.shrsi %add3A_264, %shift_right_arithmetic3A_266 : vector<16xi32>
    %and3A_268 = arith.constant 127 : i32
    %and3A_269 = vector.broadcast %and3A_268 : i32 to vector<16xi32>
    %and3A_270 = arith.andi %add3A_264, %and3A_269 : vector<16xi32>
    %add3A_271 = arith.constant 96 : i32
    %add3A_272 = vector.broadcast %add3A_271 : i32 to vector<16xi32>
    %add3A_273 = arith.addi %add3A_272, %iota3A : vector<16xi32>
    tpu.vector_store_idx %arg5[%shift_right_arithmetic3A_267, %and3A_270], %add3A_273 : memref<82x128xi32, #tpu.memory_space<vmem>>[vector<16xi32>, vector<16xi32>], vector<16xi32>,
    %add3A_274 = arith.constant 96 : i32
    %add3A_275 = vector.broadcast %add3A_274 : i32 to vector<16xi32>
    %add3A_276 = arith.addi %add3A_275, %iota3A : vector<16xi32>
    %jit3A_277 = arith.constant 128 : i32
    %eq3A_278 = arith.constant 0 : i32
    %eq3A_279 = arith.cmpi eq, %jit3A_277, %eq3A_278 : i32
    %jit3A_280 = arith.constant 1 : i32
    %select_n3A_281 = arith.select %eq3A_279, %jit3A_280, %jit3A_277 : i32
    %rem3A_282 = vector.broadcast %select_n3A_281 : i32 to vector<16xi32>
    %rem3A_283 = arith.remsi %add3A_276, %rem3A_282 : vector<16xi32>
    %ne3A_284 = arith.constant 0 : i32
    %ne3A_285 = vector.broadcast %ne3A_284 : i32 to vector<16xi32>
    %ne3A_286 = arith.cmpi ne, %rem3A_283, %ne3A_285 : vector<16xi32>
    %lt3A_287 = arith.constant 0 : i32
    %lt3A_288 = vector.broadcast %lt3A_287 : i32 to vector<16xi32>
    %lt3A_289 = arith.cmpi slt, %rem3A_283, %lt3A_288 : vector<16xi32>
    %lt3A_290 = arith.constant 0 : i32
    %lt3A_291 = arith.cmpi slt, %select_n3A_281, %lt3A_290 : i32
    %ne3A_292 = vector.broadcast %lt3A_291 : i1 to vector<16xi1>
    %ne3A_293 = vector.broadcast %ne3A_292 : vector<16xi1> to vector<16xi1>
    %ne3A_294 = arith.xori %lt3A_289, %ne3A_293 : vector<16xi1>
    %and3A_295 = arith.andi %ne3A_294, %ne3A_286 : vector<16xi1>
    %add3A_296 = vector.broadcast %select_n3A_281 : i32 to vector<16xi32>
    %add3A_297 = arith.addi %rem3A_283, %add3A_296 : vector<16xi32>
    %select_n3A_298 = arith.select %and3A_295, %add3A_297, %rem3A_283 : vector<16xi1>, vector<16xi32>
    %add3A_299 = arith.constant 1024 : i32
    %add3A_300 = vector.broadcast %add3A_299 : i32 to vector<16xi32>
    %add3A_301 = arith.addi %add3A_300, %select_n3A_298 : vector<16xi32>
    tpu.vector_store_idx %arg6[%shift_right_arithmetic3A_267, %and3A_270], %add3A_301 : memref<82x128xi32, #tpu.memory_space<vmem>>[vector<16xi32>, vector<16xi32>], vector<16xi32>,
    %add3A_302 = arith.constant 112 : i32
    %add3A_303 = arith.addi %squeeze3A, %add3A_302 : i32
    %add3A_304 = vector.broadcast %add3A_303 : i32 to vector<16xi32>
    %add3A_305 = arith.addi %add3A_304, %iota3A : vector<16xi32>
    %shift_right_arithmetic3A_306 = arith.constant 7 : i32
    %shift_right_arithmetic3A_307 = vector.broadcast %shift_right_arithmetic3A_306 : i32 to vector<16xi32>
    %shift_right_arithmetic3A_308 = arith.shrsi %add3A_305, %shift_right_arithmetic3A_307 : vector<16xi32>
    %and3A_309 = arith.constant 127 : i32
    %and3A_310 = vector.broadcast %and3A_309 : i32 to vector<16xi32>
    %and3A_311 = arith.andi %add3A_305, %and3A_310 : vector<16xi32>
    %add3A_312 = arith.constant 112 : i32
    %add3A_313 = vector.broadcast %add3A_312 : i32 to vector<16xi32>
    %add3A_314 = arith.addi %add3A_313, %iota3A : vector<16xi32>
    tpu.vector_store_idx %arg5[%shift_right_arithmetic3A_308, %and3A_311], %add3A_314 : memref<82x128xi32, #tpu.memory_space<vmem>>[vector<16xi32>, vector<16xi32>], vector<16xi32>,
    %add3A_315 = arith.constant 112 : i32
    %add3A_316 = vector.broadcast %add3A_315 : i32 to vector<16xi32>
    %add3A_317 = arith.addi %add3A_316, %iota3A : vector<16xi32>
    %jit3A_318 = arith.constant 128 : i32
    %eq3A_319 = arith.constant 0 : i32
    %eq3A_320 = arith.cmpi eq, %jit3A_318, %eq3A_319 : i32
    %jit3A_321 = arith.constant 1 : i32
    %select_n3A_322 = arith.select %eq3A_320, %jit3A_321, %jit3A_318 : i32
    %rem3A_323 = vector.broadcast %select_n3A_322 : i32 to vector<16xi32>
    %rem3A_324 = arith.remsi %add3A_317, %rem3A_323 : vector<16xi32>
    %ne3A_325 = arith.constant 0 : i32
    %ne3A_326 = vector.broadcast %ne3A_325 : i32 to vector<16xi32>
    %ne3A_327 = arith.cmpi ne, %rem3A_324, %ne3A_326 : vector<16xi32>
    %lt3A_328 = arith.constant 0 : i32
    %lt3A_329 = vector.broadcast %lt3A_328 : i32 to vector<16xi32>
    %lt3A_330 = arith.cmpi slt, %rem3A_324, %lt3A_329 : vector<16xi32>
    %lt3A_331 = arith.constant 0 : i32
    %lt3A_332 = arith.cmpi slt, %select_n3A_322, %lt3A_331 : i32
    %ne3A_333 = vector.broadcast %lt3A_332 : i1 to vector<16xi1>
    %ne3A_334 = vector.broadcast %ne3A_333 : vector<16xi1> to vector<16xi1>
    %ne3A_335 = arith.xori %lt3A_330, %ne3A_334 : vector<16xi1>
    %and3A_336 = arith.andi %ne3A_335, %ne3A_327 : vector<16xi1>
    %add3A_337 = vector.broadcast %select_n3A_322 : i32 to vector<16xi32>
    %add3A_338 = arith.addi %rem3A_324, %add3A_337 : vector<16xi32>
    %select_n3A_339 = arith.select %and3A_336, %add3A_338, %rem3A_324 : vector<16xi1>, vector<16xi32>
    %add3A_340 = arith.constant 1024 : i32
    %add3A_341 = vector.broadcast %add3A_340 : i32 to vector<16xi32>
    %add3A_342 = arith.addi %add3A_341, %select_n3A_339 : vector<16xi32>
    tpu.vector_store_idx %arg6[%shift_right_arithmetic3A_308, %and3A_311], %add3A_342 : memref<82x128xi32, #tpu.memory_space<vmem>>[vector<16xi32>, vector<16xi32>], vector<16xi32>,
    %add3A_343 = arith.constant 128 : i32
    %add3A_344 = arith.addi %squeeze3A, %add3A_343 : i32
    %add3A_345 = vector.broadcast %add3A_344 : i32 to vector<16xi32>
    %add3A_346 = arith.addi %add3A_345, %iota3A : vector<16xi32>
    %shift_right_arithmetic3A_347 = arith.constant 7 : i32
    %shift_right_arithmetic3A_348 = vector.broadcast %shift_right_arithmetic3A_347 : i32 to vector<16xi32>
    %shift_right_arithmetic3A_349 = arith.shrsi %add3A_346, %shift_right_arithmetic3A_348 : vector<16xi32>
    %and3A_350 = arith.constant 127 : i32
    %and3A_351 = vector.broadcast %and3A_350 : i32 to vector<16xi32>
    %and3A_352 = arith.andi %add3A_346, %and3A_351 : vector<16xi32>
    %add3A_353 = arith.constant 128 : i32
    %add3A_354 = vector.broadcast %add3A_353 : i32 to vector<16xi32>
    %add3A_355 = arith.addi %add3A_354, %iota3A : vector<16xi32>
    tpu.vector_store_idx %arg5[%shift_right_arithmetic3A_349, %and3A_352], %add3A_355 : memref<82x128xi32, #tpu.memory_space<vmem>>[vector<16xi32>, vector<16xi32>], vector<16xi32>,
    %add3A_356 = arith.constant 128 : i32
    %add3A_357 = vector.broadcast %add3A_356 : i32 to vector<16xi32>
    %add3A_358 = arith.addi %add3A_357, %iota3A : vector<16xi32>
    %jit3A_359 = arith.constant 128 : i32
    %eq3A_360 = arith.constant 0 : i32
    %eq3A_361 = arith.cmpi eq, %jit3A_359, %eq3A_360 : i32
    %jit3A_362 = arith.constant 1 : i32
    %select_n3A_363 = arith.select %eq3A_361, %jit3A_362, %jit3A_359 : i32
    %rem3A_364 = vector.broadcast %select_n3A_363 : i32 to vector<16xi32>
    %rem3A_365 = arith.remsi %add3A_358, %rem3A_364 : vector<16xi32>
    %ne3A_366 = arith.constant 0 : i32
    %ne3A_367 = vector.broadcast %ne3A_366 : i32 to vector<16xi32>
    %ne3A_368 = arith.cmpi ne, %rem3A_365, %ne3A_367 : vector<16xi32>
    %lt3A_369 = arith.constant 0 : i32
    %lt3A_370 = vector.broadcast %lt3A_369 : i32 to vector<16xi32>
    %lt3A_371 = arith.cmpi slt, %rem3A_365, %lt3A_370 : vector<16xi32>
    %lt3A_372 = arith.constant 0 : i32
    %lt3A_373 = arith.cmpi slt, %select_n3A_363, %lt3A_372 : i32
    %ne3A_374 = vector.broadcast %lt3A_373 : i1 to vector<16xi1>
    %ne3A_375 = vector.broadcast %ne3A_374 : vector<16xi1> to vector<16xi1>
    %ne3A_376 = arith.xori %lt3A_371, %ne3A_375 : vector<16xi1>
    %and3A_377 = arith.andi %ne3A_376, %ne3A_368 : vector<16xi1>
    %add3A_378 = vector.broadcast %select_n3A_363 : i32 to vector<16xi32>
    %add3A_379 = arith.addi %rem3A_365, %add3A_378 : vector<16xi32>
    %select_n3A_380 = arith.select %and3A_377, %add3A_379, %rem3A_365 : vector<16xi1>, vector<16xi32>
    %add3A_381 = arith.constant 1024 : i32
    %add3A_382 = vector.broadcast %add3A_381 : i32 to vector<16xi32>
    %add3A_383 = arith.addi %add3A_382, %select_n3A_380 : vector<16xi32>
    tpu.vector_store_idx %arg6[%shift_right_arithmetic3A_349, %and3A_352], %add3A_383 : memref<82x128xi32, #tpu.memory_space<vmem>>[vector<16xi32>, vector<16xi32>], vector<16xi32>,
    %add3A_384 = arith.constant 144 : i32
    %add3A_385 = arith.addi %squeeze3A, %add3A_384 : i32
    %add3A_386 = vector.broadcast %add3A_385 : i32 to vector<16xi32>
    %add3A_387 = arith.addi %add3A_386, %iota3A : vector<16xi32>
    %shift_right_arithmetic3A_388 = arith.constant 7 : i32
    %shift_right_arithmetic3A_389 = vector.broadcast %shift_right_arithmetic3A_388 : i32 to vector<16xi32>
    %shift_right_arithmetic3A_390 = arith.shrsi %add3A_387, %shift_right_arithmetic3A_389 : vector<16xi32>
    %and3A_391 = arith.constant 127 : i32
    %and3A_392 = vector.broadcast %and3A_391 : i32 to vector<16xi32>
    %and3A_393 = arith.andi %add3A_387, %and3A_392 : vector<16xi32>
    %add3A_394 = arith.constant 144 : i32
    %add3A_395 = vector.broadcast %add3A_394 : i32 to vector<16xi32>
    %add3A_396 = arith.addi %add3A_395, %iota3A : vector<16xi32>
    tpu.vector_store_idx %arg5[%shift_right_arithmetic3A_390, %and3A_393], %add3A_396 : memref<82x128xi32, #tpu.memory_space<vmem>>[vector<16xi32>, vector<16xi32>], vector<16xi32>,
    %add3A_397 = arith.constant 144 : i32
    %add3A_398 = vector.broadcast %add3A_397 : i32 to vector<16xi32>
    %add3A_399 = arith.addi %add3A_398, %iota3A : vector<16xi32>
    %jit3A_400 = arith.constant 128 : i32
    %eq3A_401 = arith.constant 0 : i32
    %eq3A_402 = arith.cmpi eq, %jit3A_400, %eq3A_401 : i32
    %jit3A_403 = arith.constant 1 : i32
    %select_n3A_404 = arith.select %eq3A_402, %jit3A_403, %jit3A_400 : i32
    %rem3A_405 = vector.broadcast %select_n3A_404 : i32 to vector<16xi32>
    %rem3A_406 = arith.remsi %add3A_399, %rem3A_405 : vector<16xi32>
    %ne3A_407 = arith.constant 0 : i32
    %ne3A_408 = vector.broadcast %ne3A_407 : i32 to vector<16xi32>
    %ne3A_409 = arith.cmpi ne, %rem3A_406, %ne3A_408 : vector<16xi32>
    %lt3A_410 = arith.constant 0 : i32
    %lt3A_411 = vector.broadcast %lt3A_410 : i32 to vector<16xi32>
    %lt3A_412 = arith.cmpi slt, %rem3A_406, %lt3A_411 : vector<16xi32>
    %lt3A_413 = arith.constant 0 : i32
    %lt3A_414 = arith.cmpi slt, %select_n3A_404, %lt3A_413 : i32
    %ne3A_415 = vector.broadcast %lt3A_414 : i1 to vector<16xi1>
    %ne3A_416 = vector.broadcast %ne3A_415 : vector<16xi1> to vector<16xi1>
    %ne3A_417 = arith.xori %lt3A_412, %ne3A_416 : vector<16xi1>
    %and3A_418 = arith.andi %ne3A_417, %ne3A_409 : vector<16xi1>
    %add3A_419 = vector.broadcast %select_n3A_404 : i32 to vector<16xi32>
    %add3A_420 = arith.addi %rem3A_406, %add3A_419 : vector<16xi32>
    %select_n3A_421 = arith.select %and3A_418, %add3A_420, %rem3A_406 : vector<16xi1>, vector<16xi32>
    %add3A_422 = arith.constant 1024 : i32
    %add3A_423 = vector.broadcast %add3A_422 : i32 to vector<16xi32>
    %add3A_424 = arith.addi %add3A_423, %select_n3A_421 : vector<16xi32>
    tpu.vector_store_idx %arg6[%shift_right_arithmetic3A_390, %and3A_393], %add3A_424 : memref<82x128xi32, #tpu.memory_space<vmem>>[vector<16xi32>, vector<16xi32>], vector<16xi32>,
    %add3A_425 = arith.constant 160 : i32
    %add3A_426 = arith.addi %squeeze3A, %add3A_425 : i32
    %add3A_427 = vector.broadcast %add3A_426 : i32 to vector<16xi32>
    %add3A_428 = arith.addi %add3A_427, %iota3A : vector<16xi32>
    %shift_right_arithmetic3A_429 = arith.constant 7 : i32
    %shift_right_arithmetic3A_430 = vector.broadcast %shift_right_arithmetic3A_429 : i32 to vector<16xi32>
    %shift_right_arithmetic3A_431 = arith.shrsi %add3A_428, %shift_right_arithmetic3A_430 : vector<16xi32>
    %and3A_432 = arith.constant 127 : i32
    %and3A_433 = vector.broadcast %and3A_432 : i32 to vector<16xi32>
    %and3A_434 = arith.andi %add3A_428, %and3A_433 : vector<16xi32>
    %add3A_435 = arith.constant 160 : i32
    %add3A_436 = vector.broadcast %add3A_435 : i32 to vector<16xi32>
    %add3A_437 = arith.addi %add3A_436, %iota3A : vector<16xi32>
    tpu.vector_store_idx %arg5[%shift_right_arithmetic3A_431, %and3A_434], %add3A_437 : memref<82x128xi32, #tpu.memory_space<vmem>>[vector<16xi32>, vector<16xi32>], vector<16xi32>,
    %add3A_438 = arith.constant 160 : i32
    %add3A_439 = vector.broadcast %add3A_438 : i32 to vector<16xi32>
    %add3A_440 = arith.addi %add3A_439, %iota3A : vector<16xi32>
    %jit3A_441 = arith.constant 128 : i32
    %eq3A_442 = arith.constant 0 : i32
    %eq3A_443 = arith.cmpi eq, %jit3A_441, %eq3A_442 : i32
    %jit3A_444 = arith.constant 1 : i32
    %select_n3A_445 = arith.select %eq3A_443, %jit3A_444, %jit3A_441 : i32
    %rem3A_446 = vector.broadcast %select_n3A_445 : i32 to vector<16xi32>
    %rem3A_447 = arith.remsi %add3A_440, %rem3A_446 : vector<16xi32>
    %ne3A_448 = arith.constant 0 : i32
    %ne3A_449 = vector.broadcast %ne3A_448 : i32 to vector<16xi32>
    %ne3A_450 = arith.cmpi ne, %rem3A_447, %ne3A_449 : vector<16xi32>
    %lt3A_451 = arith.constant 0 : i32
    %lt3A_452 = vector.broadcast %lt3A_451 : i32 to vector<16xi32>
    %lt3A_453 = arith.cmpi slt, %rem3A_447, %lt3A_452 : vector<16xi32>
    %lt3A_454 = arith.constant 0 : i32
    %lt3A_455 = arith.cmpi slt, %select_n3A_445, %lt3A_454 : i32
    %ne3A_456 = vector.broadcast %lt3A_455 : i1 to vector<16xi1>
    %ne3A_457 = vector.broadcast %ne3A_456 : vector<16xi1> to vector<16xi1>
    %ne3A_458 = arith.xori %lt3A_453, %ne3A_457 : vector<16xi1>
    %and3A_459 = arith.andi %ne3A_458, %ne3A_450 : vector<16xi1>
    %add3A_460 = vector.broadcast %select_n3A_445 : i32 to vector<16xi32>
    %add3A_461 = arith.addi %rem3A_447, %add3A_460 : vector<16xi32>
    %select_n3A_462 = arith.select %and3A_459, %add3A_461, %rem3A_447 : vector<16xi1>, vector<16xi32>
    %add3A_463 = arith.constant 1024 : i32
    %add3A_464 = vector.broadcast %add3A_463 : i32 to vector<16xi32>
    %add3A_465 = arith.addi %add3A_464, %select_n3A_462 : vector<16xi32>
    tpu.vector_store_idx %arg6[%shift_right_arithmetic3A_431, %and3A_434], %add3A_465 : memref<82x128xi32, #tpu.memory_space<vmem>>[vector<16xi32>, vector<16xi32>], vector<16xi32>,
    %add3A_466 = arith.constant 176 : i32
    %add3A_467 = arith.addi %squeeze3A, %add3A_466 : i32
    %add3A_468 = vector.broadcast %add3A_467 : i32 to vector<16xi32>
    %add3A_469 = arith.addi %add3A_468, %iota3A : vector<16xi32>
    %shift_right_arithmetic3A_470 = arith.constant 7 : i32
    %shift_right_arithmetic3A_471 = vector.broadcast %shift_right_arithmetic3A_470 : i32 to vector<16xi32>
    %shift_right_arithmetic3A_472 = arith.shrsi %add3A_469, %shift_right_arithmetic3A_471 : vector<16xi32>
    %and3A_473 = arith.constant 127 : i32
    %and3A_474 = vector.broadcast %and3A_473 : i32 to vector<16xi32>
    %and3A_475 = arith.andi %add3A_469, %and3A_474 : vector<16xi32>
    %add3A_476 = arith.constant 176 : i32
    %add3A_477 = vector.broadcast %add3A_476 : i32 to vector<16xi32>
    %add3A_478 = arith.addi %add3A_477, %iota3A : vector<16xi32>
    tpu.vector_store_idx %arg5[%shift_right_arithmetic3A_472, %and3A_475], %add3A_478 : memref<82x128xi32, #tpu.memory_space<vmem>>[vector<16xi32>, vector<16xi32>], vector<16xi32>,
    %add3A_479 = arith.constant 176 : i32
    %add3A_480 = vector.broadcast %add3A_479 : i32 to vector<16xi32>
    %add3A_481 = arith.addi %add3A_480, %iota3A : vector<16xi32>
    %jit3A_482 = arith.constant 128 : i32
    %eq3A_483 = arith.constant 0 : i32
    %eq3A_484 = arith.cmpi eq, %jit3A_482, %eq3A_483 : i32
    %jit3A_485 = arith.constant 1 : i32
    %select_n3A_486 = arith.select %eq3A_484, %jit3A_485, %jit3A_482 : i32
    %rem3A_487 = vector.broadcast %select_n3A_486 : i32 to vector<16xi32>
    %rem3A_488 = arith.remsi %add3A_481, %rem3A_487 : vector<16xi32>
    %ne3A_489 = arith.constant 0 : i32
    %ne3A_490 = vector.broadcast %ne3A_489 : i32 to vector<16xi32>
    %ne3A_491 = arith.cmpi ne, %rem3A_488, %ne3A_490 : vector<16xi32>
    %lt3A_492 = arith.constant 0 : i32
    %lt3A_493 = vector.broadcast %lt3A_492 : i32 to vector<16xi32>
    %lt3A_494 = arith.cmpi slt, %rem3A_488, %lt3A_493 : vector<16xi32>
    %lt3A_495 = arith.constant 0 : i32
    %lt3A_496 = arith.cmpi slt, %select_n3A_486, %lt3A_495 : i32
    %ne3A_497 = vector.broadcast %lt3A_496 : i1 to vector<16xi1>
    %ne3A_498 = vector.broadcast %ne3A_497 : vector<16xi1> to vector<16xi1>
    %ne3A_499 = arith.xori %lt3A_494, %ne3A_498 : vector<16xi1>
    %and3A_500 = arith.andi %ne3A_499, %ne3A_491 : vector<16xi1>
    %add3A_501 = vector.broadcast %select_n3A_486 : i32 to vector<16xi32>
    %add3A_502 = arith.addi %rem3A_488, %add3A_501 : vector<16xi32>
    %select_n3A_503 = arith.select %and3A_500, %add3A_502, %rem3A_488 : vector<16xi1>, vector<16xi32>
    %add3A_504 = arith.constant 1024 : i32
    %add3A_505 = vector.broadcast %add3A_504 : i32 to vector<16xi32>
    %add3A_506 = arith.addi %add3A_505, %select_n3A_503 : vector<16xi32>
    tpu.vector_store_idx %arg6[%shift_right_arithmetic3A_472, %and3A_475], %add3A_506 : memref<82x128xi32, #tpu.memory_space<vmem>>[vector<16xi32>, vector<16xi32>], vector<16xi32>,
    %add3A_507 = arith.constant 192 : i32
    %add3A_508 = arith.addi %squeeze3A, %add3A_507 : i32
    %add3A_509 = vector.broadcast %add3A_508 : i32 to vector<16xi32>
    %add3A_510 = arith.addi %add3A_509, %iota3A : vector<16xi32>
    %shift_right_arithmetic3A_511 = arith.constant 7 : i32
    %shift_right_arithmetic3A_512 = vector.broadcast %shift_right_arithmetic3A_511 : i32 to vector<16xi32>
    %shift_right_arithmetic3A_513 = arith.shrsi %add3A_510, %shift_right_arithmetic3A_512 : vector<16xi32>
    %and3A_514 = arith.constant 127 : i32
    %and3A_515 = vector.broadcast %and3A_514 : i32 to vector<16xi32>
    %and3A_516 = arith.andi %add3A_510, %and3A_515 : vector<16xi32>
    %add3A_517 = arith.constant 192 : i32
    %add3A_518 = vector.broadcast %add3A_517 : i32 to vector<16xi32>
    %add3A_519 = arith.addi %add3A_518, %iota3A : vector<16xi32>
    tpu.vector_store_idx %arg5[%shift_right_arithmetic3A_513, %and3A_516], %add3A_519 : memref<82x128xi32, #tpu.memory_space<vmem>>[vector<16xi32>, vector<16xi32>], vector<16xi32>,
    %add3A_520 = arith.constant 192 : i32
    %add3A_521 = vector.broadcast %add3A_520 : i32 to vector<16xi32>
    %add3A_522 = arith.addi %add3A_521, %iota3A : vector<16xi32>
    %jit3A_523 = arith.constant 128 : i32
    %eq3A_524 = arith.constant 0 : i32
    %eq3A_525 = arith.cmpi eq, %jit3A_523, %eq3A_524 : i32
    %jit3A_526 = arith.constant 1 : i32
    %select_n3A_527 = arith.select %eq3A_525, %jit3A_526, %jit3A_523 : i32
    %rem3A_528 = vector.broadcast %select_n3A_527 : i32 to vector<16xi32>
    %rem3A_529 = arith.remsi %add3A_522, %rem3A_528 : vector<16xi32>
    %ne3A_530 = arith.constant 0 : i32
    %ne3A_531 = vector.broadcast %ne3A_530 : i32 to vector<16xi32>
    %ne3A_532 = arith.cmpi ne, %rem3A_529, %ne3A_531 : vector<16xi32>
    %lt3A_533 = arith.constant 0 : i32
    %lt3A_534 = vector.broadcast %lt3A_533 : i32 to vector<16xi32>
    %lt3A_535 = arith.cmpi slt, %rem3A_529, %lt3A_534 : vector<16xi32>
    %lt3A_536 = arith.constant 0 : i32
    %lt3A_537 = arith.cmpi slt, %select_n3A_527, %lt3A_536 : i32
    %ne3A_538 = vector.broadcast %lt3A_537 : i1 to vector<16xi1>
    %ne3A_539 = vector.broadcast %ne3A_538 : vector<16xi1> to vector<16xi1>
    %ne3A_540 = arith.xori %lt3A_535, %ne3A_539 : vector<16xi1>
    %and3A_541 = arith.andi %ne3A_540, %ne3A_532 : vector<16xi1>
    %add3A_542 = vector.broadcast %select_n3A_527 : i32 to vector<16xi32>
    %add3A_543 = arith.addi %rem3A_529, %add3A_542 : vector<16xi32>
    %select_n3A_544 = arith.select %and3A_541, %add3A_543, %rem3A_529 : vector<16xi1>, vector<16xi32>
    %add3A_545 = arith.constant 1024 : i32
    %add3A_546 = vector.broadcast %add3A_545 : i32 to vector<16xi32>
    %add3A_547 = arith.addi %add3A_546, %select_n3A_544 : vector<16xi32>
    tpu.vector_store_idx %arg6[%shift_right_arithmetic3A_513, %and3A_516], %add3A_547 : memref<82x128xi32, #tpu.memory_space<vmem>>[vector<16xi32>, vector<16xi32>], vector<16xi32>,
    %add3A_548 = arith.constant 208 : i32
    %add3A_549 = arith.addi %squeeze3A, %add3A_548 : i32
    %add3A_550 = vector.broadcast %add3A_549 : i32 to vector<16xi32>
    %add3A_551 = arith.addi %add3A_550, %iota3A : vector<16xi32>
    %shift_right_arithmetic3A_552 = arith.constant 7 : i32
    %shift_right_arithmetic3A_553 = vector.broadcast %shift_right_arithmetic3A_552 : i32 to vector<16xi32>
    %shift_right_arithmetic3A_554 = arith.shrsi %add3A_551, %shift_right_arithmetic3A_553 : vector<16xi32>
    %and3A_555 = arith.constant 127 : i32
    %and3A_556 = vector.broadcast %and3A_555 : i32 to vector<16xi32>
    %and3A_557 = arith.andi %add3A_551, %and3A_556 : vector<16xi32>
    %add3A_558 = arith.constant 208 : i32
    %add3A_559 = vector.broadcast %add3A_558 : i32 to vector<16xi32>
    %add3A_560 = arith.addi %add3A_559, %iota3A : vector<16xi32>
    tpu.vector_store_idx %arg5[%shift_right_arithmetic3A_554, %and3A_557], %add3A_560 : memref<82x128xi32, #tpu.memory_space<vmem>>[vector<16xi32>, vector<16xi32>], vector<16xi32>,
    %add3A_561 = arith.constant 208 : i32
    %add3A_562 = vector.broadcast %add3A_561 : i32 to vector<16xi32>
    %add3A_563 = arith.addi %add3A_562, %iota3A : vector<16xi32>
    %jit3A_564 = arith.constant 128 : i32
    %eq3A_565 = arith.constant 0 : i32
    %eq3A_566 = arith.cmpi eq, %jit3A_564, %eq3A_565 : i32
    %jit3A_567 = arith.constant 1 : i32
    %select_n3A_568 = arith.select %eq3A_566, %jit3A_567, %jit3A_564 : i32
    %rem3A_569 = vector.broadcast %select_n3A_568 : i32 to vector<16xi32>
    %rem3A_570 = arith.remsi %add3A_563, %rem3A_569 : vector<16xi32>
    %ne3A_571 = arith.constant 0 : i32
    %ne3A_572 = vector.broadcast %ne3A_571 : i32 to vector<16xi32>
    %ne3A_573 = arith.cmpi ne, %rem3A_570, %ne3A_572 : vector<16xi32>
    %lt3A_574 = arith.constant 0 : i32
    %lt3A_575 = vector.broadcast %lt3A_574 : i32 to vector<16xi32>
    %lt3A_576 = arith.cmpi slt, %rem3A_570, %lt3A_575 : vector<16xi32>
    %lt3A_577 = arith.constant 0 : i32
    %lt3A_578 = arith.cmpi slt, %select_n3A_568, %lt3A_577 : i32
    %ne3A_579 = vector.broadcast %lt3A_578 : i1 to vector<16xi1>
    %ne3A_580 = vector.broadcast %ne3A_579 : vector<16xi1> to vector<16xi1>
    %ne3A_581 = arith.xori %lt3A_576, %ne3A_580 : vector<16xi1>
    %and3A_582 = arith.andi %ne3A_581, %ne3A_573 : vector<16xi1>
    %add3A_583 = vector.broadcast %select_n3A_568 : i32 to vector<16xi32>
    %add3A_584 = arith.addi %rem3A_570, %add3A_583 : vector<16xi32>
    %select_n3A_585 = arith.select %and3A_582, %add3A_584, %rem3A_570 : vector<16xi1>, vector<16xi32>
    %add3A_586 = arith.constant 1024 : i32
    %add3A_587 = vector.broadcast %add3A_586 : i32 to vector<16xi32>
    %add3A_588 = arith.addi %add3A_587, %select_n3A_585 : vector<16xi32>
    tpu.vector_store_idx %arg6[%shift_right_arithmetic3A_554, %and3A_557], %add3A_588 : memref<82x128xi32, #tpu.memory_space<vmem>>[vector<16xi32>, vector<16xi32>], vector<16xi32>,
    %add3A_589 = arith.constant 224 : i32
    %add3A_590 = arith.addi %squeeze3A, %add3A_589 : i32
    %add3A_591 = vector.broadcast %add3A_590 : i32 to vector<16xi32>
    %add3A_592 = arith.addi %add3A_591, %iota3A : vector<16xi32>
    %shift_right_arithmetic3A_593 = arith.constant 7 : i32
    %shift_right_arithmetic3A_594 = vector.broadcast %shift_right_arithmetic3A_593 : i32 to vector<16xi32>
    %shift_right_arithmetic3A_595 = arith.shrsi %add3A_592, %shift_right_arithmetic3A_594 : vector<16xi32>
    %and3A_596 = arith.constant 127 : i32
    %and3A_597 = vector.broadcast %and3A_596 : i32 to vector<16xi32>
    %and3A_598 = arith.andi %add3A_592, %and3A_597 : vector<16xi32>
    %add3A_599 = arith.constant 224 : i32
    %add3A_600 = vector.broadcast %add3A_599 : i32 to vector<16xi32>
    %add3A_601 = arith.addi %add3A_600, %iota3A : vector<16xi32>
    tpu.vector_store_idx %arg5[%shift_right_arithmetic3A_595, %and3A_598], %add3A_601 : memref<82x128xi32, #tpu.memory_space<vmem>>[vector<16xi32>, vector<16xi32>], vector<16xi32>,
    %add3A_602 = arith.constant 224 : i32
    %add3A_603 = vector.broadcast %add3A_602 : i32 to vector<16xi32>
    %add3A_604 = arith.addi %add3A_603, %iota3A : vector<16xi32>
    %jit3A_605 = arith.constant 128 : i32
    %eq3A_606 = arith.constant 0 : i32
    %eq3A_607 = arith.cmpi eq, %jit3A_605, %eq3A_606 : i32
    %jit3A_608 = arith.constant 1 : i32
    %select_n3A_609 = arith.select %eq3A_607, %jit3A_608, %jit3A_605 : i32
    %rem3A_610 = vector.broadcast %select_n3A_609 : i32 to vector<16xi32>
    %rem3A_611 = arith.remsi %add3A_604, %rem3A_610 : vector<16xi32>
    %ne3A_612 = arith.constant 0 : i32
    %ne3A_613 = vector.broadcast %ne3A_612 : i32 to vector<16xi32>
    %ne3A_614 = arith.cmpi ne, %rem3A_611, %ne3A_613 : vector<16xi32>
    %lt3A_615 = arith.constant 0 : i32
    %lt3A_616 = vector.broadcast %lt3A_615 : i32 to vector<16xi32>
    %lt3A_617 = arith.cmpi slt, %rem3A_611, %lt3A_616 : vector<16xi32>
    %lt3A_618 = arith.constant 0 : i32
    %lt3A_619 = arith.cmpi slt, %select_n3A_609, %lt3A_618 : i32
    %ne3A_620 = vector.broadcast %lt3A_619 : i1 to vector<16xi1>
    %ne3A_621 = vector.broadcast %ne3A_620 : vector<16xi1> to vector<16xi1>
    %ne3A_622 = arith.xori %lt3A_617, %ne3A_621 : vector<16xi1>
    %and3A_623 = arith.andi %ne3A_622, %ne3A_614 : vector<16xi1>
    %add3A_624 = vector.broadcast %select_n3A_609 : i32 to vector<16xi32>
    %add3A_625 = arith.addi %rem3A_611, %add3A_624 : vector<16xi32>
    %select_n3A_626 = arith.select %and3A_623, %add3A_625, %rem3A_611 : vector<16xi1>, vector<16xi32>
    %add3A_627 = arith.constant 1024 : i32
    %add3A_628 = vector.broadcast %add3A_627 : i32 to vector<16xi32>
    %add3A_629 = arith.addi %add3A_628, %select_n3A_626 : vector<16xi32>
    tpu.vector_store_idx %arg6[%shift_right_arithmetic3A_595, %and3A_598], %add3A_629 : memref<82x128xi32, #tpu.memory_space<vmem>>[vector<16xi32>, vector<16xi32>], vector<16xi32>,
    %add3A_630 = arith.constant 240 : i32
    %add3A_631 = arith.addi %squeeze3A, %add3A_630 : i32
    %add3A_632 = vector.broadcast %add3A_631 : i32 to vector<16xi32>
    %add3A_633 = arith.addi %add3A_632, %iota3A : vector<16xi32>
    %shift_right_arithmetic3A_634 = arith.constant 7 : i32
    %shift_right_arithmetic3A_635 = vector.broadcast %shift_right_arithmetic3A_634 : i32 to vector<16xi32>
    %shift_right_arithmetic3A_636 = arith.shrsi %add3A_633, %shift_right_arithmetic3A_635 : vector<16xi32>
    %and3A_637 = arith.constant 127 : i32
    %and3A_638 = vector.broadcast %and3A_637 : i32 to vector<16xi32>
    %and3A_639 = arith.andi %add3A_633, %and3A_638 : vector<16xi32>
    %add3A_640 = arith.constant 240 : i32
    %add3A_641 = vector.broadcast %add3A_640 : i32 to vector<16xi32>
    %add3A_642 = arith.addi %add3A_641, %iota3A : vector<16xi32>
    tpu.vector_store_idx %arg5[%shift_right_arithmetic3A_636, %and3A_639], %add3A_642 : memref<82x128xi32, #tpu.memory_space<vmem>>[vector<16xi32>, vector<16xi32>], vector<16xi32>,
    %add3A_643 = arith.constant 240 : i32
    %add3A_644 = vector.broadcast %add3A_643 : i32 to vector<16xi32>
    %add3A_645 = arith.addi %add3A_644, %iota3A : vector<16xi32>
    %jit3A_646 = arith.constant 128 : i32
    %eq3A_647 = arith.constant 0 : i32
    %eq3A_648 = arith.cmpi eq, %jit3A_646, %eq3A_647 : i32
    %jit3A_649 = arith.constant 1 : i32
    %select_n3A_650 = arith.select %eq3A_648, %jit3A_649, %jit3A_646 : i32
    %rem3A_651 = vector.broadcast %select_n3A_650 : i32 to vector<16xi32>
    %rem3A_652 = arith.remsi %add3A_645, %rem3A_651 : vector<16xi32>
    %ne3A_653 = arith.constant 0 : i32
    %ne3A_654 = vector.broadcast %ne3A_653 : i32 to vector<16xi32>
    %ne3A_655 = arith.cmpi ne, %rem3A_652, %ne3A_654 : vector<16xi32>
    %lt3A_656 = arith.constant 0 : i32
    %lt3A_657 = vector.broadcast %lt3A_656 : i32 to vector<16xi32>
    %lt3A_658 = arith.cmpi slt, %rem3A_652, %lt3A_657 : vector<16xi32>
    %lt3A_659 = arith.constant 0 : i32
    %lt3A_660 = arith.cmpi slt, %select_n3A_650, %lt3A_659 : i32
    %ne3A_661 = vector.broadcast %lt3A_660 : i1 to vector<16xi1>
    %ne3A_662 = vector.broadcast %ne3A_661 : vector<16xi1> to vector<16xi1>
    %ne3A_663 = arith.xori %lt3A_658, %ne3A_662 : vector<16xi1>
    %and3A_664 = arith.andi %ne3A_663, %ne3A_655 : vector<16xi1>
    %add3A_665 = vector.broadcast %select_n3A_650 : i32 to vector<16xi32>
    %add3A_666 = arith.addi %rem3A_652, %add3A_665 : vector<16xi32>
    %select_n3A_667 = arith.select %and3A_664, %add3A_666, %rem3A_652 : vector<16xi1>, vector<16xi32>
    %add3A_668 = arith.constant 1024 : i32
    %add3A_669 = vector.broadcast %add3A_668 : i32 to vector<16xi32>
    %add3A_670 = arith.addi %add3A_669, %select_n3A_667 : vector<16xi32>
    tpu.vector_store_idx %arg6[%shift_right_arithmetic3A_636, %and3A_639], %add3A_670 : memref<82x128xi32, #tpu.memory_space<vmem>>[vector<16xi32>, vector<16xi32>], vector<16xi32>,
    %add3A_671 = arith.constant 256 : i32
    %add3A_672 = arith.addi %squeeze3A, %add3A_671 : i32
    %sub3A = arith.constant 1 : i32
    %sub3A_673 = arith.subi %add3A_672, %sub3A : i32
    %jit3A_674 = arith.constant 256 : i32
    %div3A = arith.divsi %sub3A_673, %jit3A_674 : i32
    %sign3A = arith.constant 0 : i32
    %sign3A_675 = arith.cmpi sgt, %sub3A_673, %sign3A : i32
    %sign3A_676 = arith.extui %sign3A_675 : i1 to i32
    %sign3A_677 = arith.constant 0 : i32
    %sign3A_678 = arith.cmpi slt, %sub3A_673, %sign3A_677 : i32
    %sign3A_679 = arith.extui %sign3A_678 : i1 to i32
    %sign3A_680 = arith.subi %sign3A_676, %sign3A_679 : i32
    %sign3A_681 = arith.constant 0 : i32
    %sign3A_682 = arith.cmpi sgt, %jit3A_674, %sign3A_681 : i32
    %sign3A_683 = arith.extui %sign3A_682 : i1 to i32
    %sign3A_684 = arith.constant 0 : i32
    %sign3A_685 = arith.cmpi slt, %jit3A_674, %sign3A_684 : i32
    %sign3A_686 = arith.extui %sign3A_685 : i1 to i32
    %sign3A_687 = arith.subi %sign3A_683, %sign3A_686 : i32
    %ne3A_688 = arith.cmpi ne, %sign3A_680, %sign3A_687 : i32
    %rem3A_689 = arith.remsi %sub3A_673, %jit3A_674 : i32
    %ne3A_690 = arith.constant 0 : i32
    %ne3A_691 = arith.cmpi ne, %rem3A_689, %ne3A_690 : i32
    %and3A_692 = arith.andi %ne3A_688, %ne3A_691 : i1
    %sub3A_693 = arith.constant 1 : i32
    %sub3A_694 = arith.subi %div3A, %sub3A_693 : i32
    %select_n3A_695 = arith.select %and3A_692, %sub3A_694, %div3A : i32
    %mul3A_696 = arith.constant 2 : i32
    %mul3A_697 = arith.muli %mul3A_696, %select_n3A_695 : i32
    %max3A = arith.constant 2 : i32
    %max3A_698 = arith.maxsi %mul3A_697, %max3A : i32
    %dma_start3A = arith.constant 0 : i32
    %dma_start3A_699 = arith.constant 0 : i32
    %dma_start3A_700 = tpu.memref_slice %arg5[%dma_start3A, %dma_start3A_699] : memref<82x128xi32, #tpu.memory_space<vmem>> -> memref<1x128xi32, #tpu.memory_space<vmem>>
    %dma_start3A_701 = tpu.memref_squeeze %dma_start3A_700 : memref<1x128xi32, #tpu.memory_space<vmem>> -> memref<128xi32, #tpu.memory_space<vmem>>
    %dma_start3A_702 = arith.constant 0 : i32
    %dma_start3A_703 = arith.constant 0 : i32
    %dma_start3A_704 = tpu.memref_slice %arg2[%dma_start3A_702, %dma_start3A_703] : memref<4096x144xf32, #tpu.memory_space<hbm>> -> memref<4096x144xf32, #tpu.memory_space<hbm>>
    tpu.enqueue_indirect_dma source(%dma_start3A_704 : memref<4096x144xf32, #tpu.memory_space<hbm>>) target(%arg7 : memref<128x144xf32, #tpu.memory_space<vmem>>) offsets(%dma_start3A_701 : memref<128xi32, #tpu.memory_space<vmem>>) semaphore(%arg10 : memref<!tpu.dma_semaphore, #tpu.memory_space<semaphore_mem>>)
    %jit3A_705 = arith.constant 2 : i32
    %div3A_706 = arith.divsi %max3A_698, %jit3A_705 : i32
    %sign3A_707 = arith.constant 0 : i32
    %sign3A_708 = arith.cmpi sgt, %max3A_698, %sign3A_707 : i32
    %sign3A_709 = arith.extui %sign3A_708 : i1 to i32
    %sign3A_710 = arith.constant 0 : i32
    %sign3A_711 = arith.cmpi slt, %max3A_698, %sign3A_710 : i32
    %sign3A_712 = arith.extui %sign3A_711 : i1 to i32
    %sign3A_713 = arith.subi %sign3A_709, %sign3A_712 : i32
    %sign3A_714 = arith.constant 0 : i32
    %sign3A_715 = arith.cmpi sgt, %jit3A_705, %sign3A_714 : i32
    %sign3A_716 = arith.extui %sign3A_715 : i1 to i32
    %sign3A_717 = arith.constant 0 : i32
    %sign3A_718 = arith.cmpi slt, %jit3A_705, %sign3A_717 : i32
    %sign3A_719 = arith.extui %sign3A_718 : i1 to i32
    %sign3A_720 = arith.subi %sign3A_716, %sign3A_719 : i32
    %ne3A_721 = arith.cmpi ne, %sign3A_713, %sign3A_720 : i32
    %rem3A_722 = arith.remsi %max3A_698, %jit3A_705 : i32
    %ne3A_723 = arith.constant 0 : i32
    %ne3A_724 = arith.cmpi ne, %rem3A_722, %ne3A_723 : i32
    %and3A_725 = arith.andi %ne3A_721, %ne3A_724 : i1
    %sub3A_726 = arith.constant 1 : i32
    %sub3A_727 = arith.subi %div3A_706, %sub3A_726 : i32
    %select_n3A_728 = arith.select %and3A_725, %sub3A_727, %div3A_706 : i32
    %while3A = arith.constant 0 : i32
    %while3A_729 = arith.constant 0 : i32
    %while3A_730 = arith.subi %select_n3A_728, %while3A_729 : i32
    %while3A_731 = arith.addi %while3A_729, %while3A_730 : i32
    %while3A_732 = arith.constant 1 : i32
    %while3A_733 = arith.divsi %while3A_730, %while3A_732 : i32
    %while3A_734 = arith.muli %while3A_733, %while3A_732 : i32
    %while3A_735 = arith.addi %while3A_729, %while3A_734 : i32
    %while3A_736 = arith.constant 1 : i32
    scf.for %while3A_749 = %while3A_729 to %while3A_735 step %while3A_736  : i32 {
      %mul3A_750 = arith.constant 2 : i32
      %mul3A_751 = arith.muli %mul3A_750, %while3A_749 : i32
      %add3A_752 = arith.constant 1 : i32
      %add3A_753 = arith.addi %mul3A_751, %add3A_752 : i32
      %dma_wait3A_754 = arith.constant 0 : i32
      %dma_wait3A_755 = tpu.memref_slice %arg5[%mul3A_751, %dma_wait3A_754] : memref<82x128xi32, #tpu.memory_space<vmem>> -> memref<1x128xi32, #tpu.memory_space<vmem>>
      %dma_wait3A_756 = tpu.memref_squeeze %dma_wait3A_755 : memref<1x128xi32, #tpu.memory_space<vmem>> -> memref<128xi32, #tpu.memory_space<vmem>>
      %dma_wait3A_757 = arith.constant 0 : i32
      %dma_wait3A_758 = arith.constant 0 : i32
      %dma_wait3A_759 = tpu.memref_slice %arg2[%dma_wait3A_757, %dma_wait3A_758] : memref<4096x144xf32, #tpu.memory_space<hbm>> -> memref<4096x144xf32, #tpu.memory_space<hbm>>
      tpu.wait_indirect_dma semaphore(%arg10 : memref<!tpu.dma_semaphore, #tpu.memory_space<semaphore_mem>>) src(%dma_wait3A_759 : memref<4096x144xf32, #tpu.memory_space<hbm>>) dst(%arg7 : memref<128x144xf32, #tpu.memory_space<vmem>>)
      %gt3A = arith.constant 0 : i32
      %gt3A_760 = arith.cmpi sgt, %while3A_749, %gt3A : i32
      %convert_element_type3A = arith.extui %gt3A_760 : i1 to i32
      %cond3A = arith.constant 0 : i32
      %cond3A_761 = arith.cmpi ne, %convert_element_type3A, %cond3A : i32
      scf.if %cond3A_761 {
        %dma_wait3A_799 = arith.constant 0 : i32
        %dma_wait3A_800 = arith.constant 0 : i32
        %dma_wait3A_801 = tpu.memref_slice %arg6[%dma_wait3A_799, %dma_wait3A_800] : memref<82x128xi32, #tpu.memory_space<vmem>> -> memref<1x128xi32, #tpu.memory_space<vmem>>
        %dma_wait3A_802 = tpu.memref_squeeze %dma_wait3A_801 : memref<1x128xi32, #tpu.memory_space<vmem>> -> memref<128xi32, #tpu.memory_space<vmem>>
        %dma_wait3A_803 = arith.constant 0 : i32
        %dma_wait3A_804 = arith.constant 0 : i32
        %dma_wait3A_805 = tpu.memref_slice %arg9[%dma_wait3A_803, %dma_wait3A_804] : memref<1152x144xf32, #tpu.memory_space<vmem_shared>> -> memref<1152x144xf32, #tpu.memory_space<vmem_shared>>
        tpu.wait_indirect_dma semaphore(%arg11 : memref<!tpu.dma_semaphore, #tpu.memory_space<semaphore_mem>>) src(%arg7 : memref<128x144xf32, #tpu.memory_space<vmem>>) dst(%dma_wait3A_805 : memref<1152x144xf32, #tpu.memory_space<vmem_shared>>)
      } else {
      }
      %dma_start3A_762 = arith.constant 0 : i32
      %dma_start3A_763 = tpu.memref_slice %arg5[%add3A_753, %dma_start3A_762] : memref<82x128xi32, #tpu.memory_space<vmem>> -> memref<1x128xi32, #tpu.memory_space<vmem>>
      %dma_start3A_764 = tpu.memref_squeeze %dma_start3A_763 : memref<1x128xi32, #tpu.memory_space<vmem>> -> memref<128xi32, #tpu.memory_space<vmem>>
      %dma_start3A_765 = arith.constant 0 : i32
      %dma_start3A_766 = arith.constant 0 : i32
      %dma_start3A_767 = tpu.memref_slice %arg2[%dma_start3A_765, %dma_start3A_766] : memref<4096x144xf32, #tpu.memory_space<hbm>> -> memref<4096x144xf32, #tpu.memory_space<hbm>>
      tpu.enqueue_indirect_dma source(%dma_start3A_767 : memref<4096x144xf32, #tpu.memory_space<hbm>>) target(%arg8 : memref<128x144xf32, #tpu.memory_space<vmem>>) offsets(%dma_start3A_764 : memref<128xi32, #tpu.memory_space<vmem>>) semaphore(%arg10 : memref<!tpu.dma_semaphore, #tpu.memory_space<semaphore_mem>>)
      %dma_start3A_768 = arith.constant 0 : i32
      %dma_start3A_769 = tpu.memref_slice %arg6[%mul3A_751, %dma_start3A_768] : memref<82x128xi32, #tpu.memory_space<vmem>> -> memref<1x128xi32, #tpu.memory_space<vmem>>
      %dma_start3A_770 = tpu.memref_squeeze %dma_start3A_769 : memref<1x128xi32, #tpu.memory_space<vmem>> -> memref<128xi32, #tpu.memory_space<vmem>>
      %dma_start3A_771 = arith.constant 0 : i32
      %dma_start3A_772 = arith.constant 0 : i32
      %dma_start3A_773 = tpu.memref_slice %arg9[%dma_start3A_771, %dma_start3A_772] : memref<1152x144xf32, #tpu.memory_space<vmem_shared>> -> memref<1152x144xf32, #tpu.memory_space<vmem_shared>>
      tpu.enqueue_indirect_dma source(%arg7 : memref<128x144xf32, #tpu.memory_space<vmem>>) target(%dma_start3A_773 : memref<1152x144xf32, #tpu.memory_space<vmem_shared>>) offsets(%dma_start3A_770 : memref<128xi32, #tpu.memory_space<vmem>>) semaphore(%arg11 : memref<!tpu.dma_semaphore, #tpu.memory_space<semaphore_mem>>) {add = true}
      %dma_wait3A_774 = arith.constant 0 : i32
      %dma_wait3A_775 = tpu.memref_slice %arg5[%add3A_753, %dma_wait3A_774] : memref<82x128xi32, #tpu.memory_space<vmem>> -> memref<1x128xi32, #tpu.memory_space<vmem>>
      %dma_wait3A_776 = tpu.memref_squeeze %dma_wait3A_775 : memref<1x128xi32, #tpu.memory_space<vmem>> -> memref<128xi32, #tpu.memory_space<vmem>>
      %dma_wait3A_777 = arith.constant 0 : i32
      %dma_wait3A_778 = arith.constant 0 : i32
      %dma_wait3A_779 = tpu.memref_slice %arg2[%dma_wait3A_777, %dma_wait3A_778] : memref<4096x144xf32, #tpu.memory_space<hbm>> -> memref<4096x144xf32, #tpu.memory_space<hbm>>
      tpu.wait_indirect_dma semaphore(%arg10 : memref<!tpu.dma_semaphore, #tpu.memory_space<semaphore_mem>>) src(%dma_wait3A_779 : memref<4096x144xf32, #tpu.memory_space<hbm>>) dst(%arg8 : memref<128x144xf32, #tpu.memory_space<vmem>>)
      %dma_wait3A_780 = arith.constant 0 : i32
      %dma_wait3A_781 = arith.constant 0 : i32
      %dma_wait3A_782 = tpu.memref_slice %arg6[%dma_wait3A_780, %dma_wait3A_781] : memref<82x128xi32, #tpu.memory_space<vmem>> -> memref<1x128xi32, #tpu.memory_space<vmem>>
      %dma_wait3A_783 = tpu.memref_squeeze %dma_wait3A_782 : memref<1x128xi32, #tpu.memory_space<vmem>> -> memref<128xi32, #tpu.memory_space<vmem>>
      %dma_wait3A_784 = arith.constant 0 : i32
      %dma_wait3A_785 = arith.constant 0 : i32
      %dma_wait3A_786 = tpu.memref_slice %arg9[%dma_wait3A_784, %dma_wait3A_785] : memref<1152x144xf32, #tpu.memory_space<vmem_shared>> -> memref<1152x144xf32, #tpu.memory_space<vmem_shared>>
      tpu.wait_indirect_dma semaphore(%arg11 : memref<!tpu.dma_semaphore, #tpu.memory_space<semaphore_mem>>) src(%arg7 : memref<128x144xf32, #tpu.memory_space<vmem>>) dst(%dma_wait3A_786 : memref<1152x144xf32, #tpu.memory_space<vmem_shared>>)
      %add3A_787 = arith.constant 1 : i32
      %add3A_788 = arith.addi %add3A_753, %add3A_787 : i32
      %lt3A_789 = arith.cmpi slt, %add3A_788, %max3A_698 : i32
      %convert_element_type3A_790 = arith.extui %lt3A_789 : i1 to i32
      %cond3A_791 = arith.constant 0 : i32
      %cond3A_792 = arith.cmpi ne, %convert_element_type3A_790, %cond3A_791 : i32
      scf.if %cond3A_792 {
        %add3A_799 = arith.constant 1 : i32
        %add3A_800 = arith.addi %add3A_753, %add3A_799 : i32
        %dma_start3A_801 = arith.constant 0 : i32
        %dma_start3A_802 = tpu.memref_slice %arg5[%add3A_800, %dma_start3A_801] : memref<82x128xi32, #tpu.memory_space<vmem>> -> memref<1x128xi32, #tpu.memory_space<vmem>>
        %dma_start3A_803 = tpu.memref_squeeze %dma_start3A_802 : memref<1x128xi32, #tpu.memory_space<vmem>> -> memref<128xi32, #tpu.memory_space<vmem>>
        %dma_start3A_804 = arith.constant 0 : i32
        %dma_start3A_805 = arith.constant 0 : i32
        %dma_start3A_806 = tpu.memref_slice %arg2[%dma_start3A_804, %dma_start3A_805] : memref<4096x144xf32, #tpu.memory_space<hbm>> -> memref<4096x144xf32, #tpu.memory_space<hbm>>
        tpu.enqueue_indirect_dma source(%dma_start3A_806 : memref<4096x144xf32, #tpu.memory_space<hbm>>) target(%arg7 : memref<128x144xf32, #tpu.memory_space<vmem>>) offsets(%dma_start3A_803 : memref<128xi32, #tpu.memory_space<vmem>>) semaphore(%arg10 : memref<!tpu.dma_semaphore, #tpu.memory_space<semaphore_mem>>)
      } else {
      }
      %dma_start3A_793 = arith.constant 0 : i32
      %dma_start3A_794 = tpu.memref_slice %arg6[%add3A_753, %dma_start3A_793] : memref<82x128xi32, #tpu.memory_space<vmem>> -> memref<1x128xi32, #tpu.memory_space<vmem>>
      %dma_start3A_795 = tpu.memref_squeeze %dma_start3A_794 : memref<1x128xi32, #tpu.memory_space<vmem>> -> memref<128xi32, #tpu.memory_space<vmem>>
      %dma_start3A_796 = arith.constant 0 : i32
      %dma_start3A_797 = arith.constant 0 : i32
      %dma_start3A_798 = tpu.memref_slice %arg9[%dma_start3A_796, %dma_start3A_797] : memref<1152x144xf32, #tpu.memory_space<vmem_shared>> -> memref<1152x144xf32, #tpu.memory_space<vmem_shared>>
      tpu.enqueue_indirect_dma source(%arg8 : memref<128x144xf32, #tpu.memory_space<vmem>>) target(%dma_start3A_798 : memref<1152x144xf32, #tpu.memory_space<vmem_shared>>) offsets(%dma_start3A_795 : memref<128xi32, #tpu.memory_space<vmem>>) semaphore(%arg11 : memref<!tpu.dma_semaphore, #tpu.memory_space<semaphore_mem>>) {add = true}
    }
    %while3A_737 = arith.constant 1 : i32
    scf.for %while3A_749 = %while3A_735 to %while3A_731 step %while3A_737  : i32 {
      %mul3A_750 = arith.constant 2 : i32
      %mul3A_751 = arith.muli %mul3A_750, %while3A_749 : i32
      %add3A_752 = arith.constant 1 : i32
      %add3A_753 = arith.addi %mul3A_751, %add3A_752 : i32
      %dma_wait3A_754 = arith.constant 0 : i32
      %dma_wait3A_755 = tpu.memref_slice %arg5[%mul3A_751, %dma_wait3A_754] : memref<82x128xi32, #tpu.memory_space<vmem>> -> memref<1x128xi32, #tpu.memory_space<vmem>>
      %dma_wait3A_756 = tpu.memref_squeeze %dma_wait3A_755 : memref<1x128xi32, #tpu.memory_space<vmem>> -> memref<128xi32, #tpu.memory_space<vmem>>
      %dma_wait3A_757 = arith.constant 0 : i32
      %dma_wait3A_758 = arith.constant 0 : i32
      %dma_wait3A_759 = tpu.memref_slice %arg2[%dma_wait3A_757, %dma_wait3A_758] : memref<4096x144xf32, #tpu.memory_space<hbm>> -> memref<4096x144xf32, #tpu.memory_space<hbm>>
      tpu.wait_indirect_dma semaphore(%arg10 : memref<!tpu.dma_semaphore, #tpu.memory_space<semaphore_mem>>) src(%dma_wait3A_759 : memref<4096x144xf32, #tpu.memory_space<hbm>>) dst(%arg7 : memref<128x144xf32, #tpu.memory_space<vmem>>)
      %gt3A = arith.constant 0 : i32
      %gt3A_760 = arith.cmpi sgt, %while3A_749, %gt3A : i32
      %convert_element_type3A = arith.extui %gt3A_760 : i1 to i32
      %cond3A = arith.constant 0 : i32
      %cond3A_761 = arith.cmpi ne, %convert_element_type3A, %cond3A : i32
      scf.if %cond3A_761 {
        %dma_wait3A_799 = arith.constant 0 : i32
        %dma_wait3A_800 = arith.constant 0 : i32
        %dma_wait3A_801 = tpu.memref_slice %arg6[%dma_wait3A_799, %dma_wait3A_800] : memref<82x128xi32, #tpu.memory_space<vmem>> -> memref<1x128xi32, #tpu.memory_space<vmem>>
        %dma_wait3A_802 = tpu.memref_squeeze %dma_wait3A_801 : memref<1x128xi32, #tpu.memory_space<vmem>> -> memref<128xi32, #tpu.memory_space<vmem>>
        %dma_wait3A_803 = arith.constant 0 : i32
        %dma_wait3A_804 = arith.constant 0 : i32
        %dma_wait3A_805 = tpu.memref_slice %arg9[%dma_wait3A_803, %dma_wait3A_804] : memref<1152x144xf32, #tpu.memory_space<vmem_shared>> -> memref<1152x144xf32, #tpu.memory_space<vmem_shared>>
        tpu.wait_indirect_dma semaphore(%arg11 : memref<!tpu.dma_semaphore, #tpu.memory_space<semaphore_mem>>) src(%arg7 : memref<128x144xf32, #tpu.memory_space<vmem>>) dst(%dma_wait3A_805 : memref<1152x144xf32, #tpu.memory_space<vmem_shared>>)
      } else {
      }
      %dma_start3A_762 = arith.constant 0 : i32
      %dma_start3A_763 = tpu.memref_slice %arg5[%add3A_753, %dma_start3A_762] : memref<82x128xi32, #tpu.memory_space<vmem>> -> memref<1x128xi32, #tpu.memory_space<vmem>>
      %dma_start3A_764 = tpu.memref_squeeze %dma_start3A_763 : memref<1x128xi32, #tpu.memory_space<vmem>> -> memref<128xi32, #tpu.memory_space<vmem>>
      %dma_start3A_765 = arith.constant 0 : i32
      %dma_start3A_766 = arith.constant 0 : i32
      %dma_start3A_767 = tpu.memref_slice %arg2[%dma_start3A_765, %dma_start3A_766] : memref<4096x144xf32, #tpu.memory_space<hbm>> -> memref<4096x144xf32, #tpu.memory_space<hbm>>
      tpu.enqueue_indirect_dma source(%dma_start3A_767 : memref<4096x144xf32, #tpu.memory_space<hbm>>) target(%arg8 : memref<128x144xf32, #tpu.memory_space<vmem>>) offsets(%dma_start3A_764 : memref<128xi32, #tpu.memory_space<vmem>>) semaphore(%arg10 : memref<!tpu.dma_semaphore, #tpu.memory_space<semaphore_mem>>)
      %dma_start3A_768 = arith.constant 0 : i32
      %dma_start3A_769 = tpu.memref_slice %arg6[%mul3A_751, %dma_start3A_768] : memref<82x128xi32, #tpu.memory_space<vmem>> -> memref<1x128xi32, #tpu.memory_space<vmem>>
      %dma_start3A_770 = tpu.memref_squeeze %dma_start3A_769 : memref<1x128xi32, #tpu.memory_space<vmem>> -> memref<128xi32, #tpu.memory_space<vmem>>
      %dma_start3A_771 = arith.constant 0 : i32
      %dma_start3A_772 = arith.constant 0 : i32
      %dma_start3A_773 = tpu.memref_slice %arg9[%dma_start3A_771, %dma_start3A_772] : memref<1152x144xf32, #tpu.memory_space<vmem_shared>> -> memref<1152x144xf32, #tpu.memory_space<vmem_shared>>
      tpu.enqueue_indirect_dma source(%arg7 : memref<128x144xf32, #tpu.memory_space<vmem>>) target(%dma_start3A_773 : memref<1152x144xf32, #tpu.memory_space<vmem_shared>>) offsets(%dma_start3A_770 : memref<128xi32, #tpu.memory_space<vmem>>) semaphore(%arg11 : memref<!tpu.dma_semaphore, #tpu.memory_space<semaphore_mem>>) {add = true}
      %dma_wait3A_774 = arith.constant 0 : i32
      %dma_wait3A_775 = tpu.memref_slice %arg5[%add3A_753, %dma_wait3A_774] : memref<82x128xi32, #tpu.memory_space<vmem>> -> memref<1x128xi32, #tpu.memory_space<vmem>>
      %dma_wait3A_776 = tpu.memref_squeeze %dma_wait3A_775 : memref<1x128xi32, #tpu.memory_space<vmem>> -> memref<128xi32, #tpu.memory_space<vmem>>
      %dma_wait3A_777 = arith.constant 0 : i32
      %dma_wait3A_778 = arith.constant 0 : i32
      %dma_wait3A_779 = tpu.memref_slice %arg2[%dma_wait3A_777, %dma_wait3A_778] : memref<4096x144xf32, #tpu.memory_space<hbm>> -> memref<4096x144xf32, #tpu.memory_space<hbm>>
      tpu.wait_indirect_dma semaphore(%arg10 : memref<!tpu.dma_semaphore, #tpu.memory_space<semaphore_mem>>) src(%dma_wait3A_779 : memref<4096x144xf32, #tpu.memory_space<hbm>>) dst(%arg8 : memref<128x144xf32, #tpu.memory_space<vmem>>)
      %dma_wait3A_780 = arith.constant 0 : i32
      %dma_wait3A_781 = arith.constant 0 : i32
      %dma_wait3A_782 = tpu.memref_slice %arg6[%dma_wait3A_780, %dma_wait3A_781] : memref<82x128xi32, #tpu.memory_space<vmem>> -> memref<1x128xi32, #tpu.memory_space<vmem>>
      %dma_wait3A_783 = tpu.memref_squeeze %dma_wait3A_782 : memref<1x128xi32, #tpu.memory_space<vmem>> -> memref<128xi32, #tpu.memory_space<vmem>>
      %dma_wait3A_784 = arith.constant 0 : i32
      %dma_wait3A_785 = arith.constant 0 : i32
      %dma_wait3A_786 = tpu.memref_slice %arg9[%dma_wait3A_784, %dma_wait3A_785] : memref<1152x144xf32, #tpu.memory_space<vmem_shared>> -> memref<1152x144xf32, #tpu.memory_space<vmem_shared>>
      tpu.wait_indirect_dma semaphore(%arg11 : memref<!tpu.dma_semaphore, #tpu.memory_space<semaphore_mem>>) src(%arg7 : memref<128x144xf32, #tpu.memory_space<vmem>>) dst(%dma_wait3A_786 : memref<1152x144xf32, #tpu.memory_space<vmem_shared>>)
      %add3A_787 = arith.constant 1 : i32
      %add3A_788 = arith.addi %add3A_753, %add3A_787 : i32
      %lt3A_789 = arith.cmpi slt, %add3A_788, %max3A_698 : i32
      %convert_element_type3A_790 = arith.extui %lt3A_789 : i1 to i32
      %cond3A_791 = arith.constant 0 : i32
      %cond3A_792 = arith.cmpi ne, %convert_element_type3A_790, %cond3A_791 : i32
      scf.if %cond3A_792 {
        %add3A_799 = arith.constant 1 : i32
        %add3A_800 = arith.addi %add3A_753, %add3A_799 : i32
        %dma_start3A_801 = arith.constant 0 : i32
        %dma_start3A_802 = tpu.memref_slice %arg5[%add3A_800, %dma_start3A_801] : memref<82x128xi32, #tpu.memory_space<vmem>> -> memref<1x128xi32, #tpu.memory_space<vmem>>
        %dma_start3A_803 = tpu.memref_squeeze %dma_start3A_802 : memref<1x128xi32, #tpu.memory_space<vmem>> -> memref<128xi32, #tpu.memory_space<vmem>>
        %dma_start3A_804 = arith.constant 0 : i32
        %dma_start3A_805 = arith.constant 0 : i32
        %dma_start3A_806 = tpu.memref_slice %arg2[%dma_start3A_804, %dma_start3A_805] : memref<4096x144xf32, #tpu.memory_space<hbm>> -> memref<4096x144xf32, #tpu.memory_space<hbm>>
        tpu.enqueue_indirect_dma source(%dma_start3A_806 : memref<4096x144xf32, #tpu.memory_space<hbm>>) target(%arg7 : memref<128x144xf32, #tpu.memory_space<vmem>>) offsets(%dma_start3A_803 : memref<128xi32, #tpu.memory_space<vmem>>) semaphore(%arg10 : memref<!tpu.dma_semaphore, #tpu.memory_space<semaphore_mem>>)
      } else {
      }
      %dma_start3A_793 = arith.constant 0 : i32
      %dma_start3A_794 = tpu.memref_slice %arg6[%add3A_753, %dma_start3A_793] : memref<82x128xi32, #tpu.memory_space<vmem>> -> memref<1x128xi32, #tpu.memory_space<vmem>>
      %dma_start3A_795 = tpu.memref_squeeze %dma_start3A_794 : memref<1x128xi32, #tpu.memory_space<vmem>> -> memref<128xi32, #tpu.memory_space<vmem>>
      %dma_start3A_796 = arith.constant 0 : i32
      %dma_start3A_797 = arith.constant 0 : i32
      %dma_start3A_798 = tpu.memref_slice %arg9[%dma_start3A_796, %dma_start3A_797] : memref<1152x144xf32, #tpu.memory_space<vmem_shared>> -> memref<1152x144xf32, #tpu.memory_space<vmem_shared>>
      tpu.enqueue_indirect_dma source(%arg8 : memref<128x144xf32, #tpu.memory_space<vmem>>) target(%dma_start3A_798 : memref<1152x144xf32, #tpu.memory_space<vmem_shared>>) offsets(%dma_start3A_795 : memref<128xi32, #tpu.memory_space<vmem>>) semaphore(%arg11 : memref<!tpu.dma_semaphore, #tpu.memory_space<semaphore_mem>>) {add = true}
    }
    %dma_wait3A = arith.constant 0 : i32
    %dma_wait3A_738 = arith.constant 0 : i32
    %dma_wait3A_739 = tpu.memref_slice %arg6[%dma_wait3A, %dma_wait3A_738] : memref<82x128xi32, #tpu.memory_space<vmem>> -> memref<1x128xi32, #tpu.memory_space<vmem>>
    %dma_wait3A_740 = tpu.memref_squeeze %dma_wait3A_739 : memref<1x128xi32, #tpu.memory_space<vmem>> -> memref<128xi32, #tpu.memory_space<vmem>>
    %dma_wait3A_741 = arith.constant 0 : i32
    %dma_wait3A_742 = arith.constant 0 : i32
    %dma_wait3A_743 = tpu.memref_slice %arg9[%dma_wait3A_741, %dma_wait3A_742] : memref<1152x144xf32, #tpu.memory_space<vmem_shared>> -> memref<1152x144xf32, #tpu.memory_space<vmem_shared>>
    tpu.wait_indirect_dma semaphore(%arg11 : memref<!tpu.dma_semaphore, #tpu.memory_space<semaphore_mem>>) src(%arg7 : memref<128x144xf32, #tpu.memory_space<vmem>>) dst(%dma_wait3A_743 : memref<1152x144xf32, #tpu.memory_space<vmem_shared>>)
    %barrier3A_744 = arith.constant 0 : index
    tpu.barrier barrier_id(%barrier3A_744)
    %add3A_745 = arith.constant 0 : i32
    %add3A_746 = arith.addi %mul3A_7, %add3A_745 : i32
    %add3A_747 = arith.constant 0 : i32
    %add3A_748 = arith.addi %mul3A_7, %add3A_747 : i32
    "tpu.region"() ({
      %run_scoped3A_749 = tpu.sem_alloc : memref<!tpu.dma_semaphore, #tpu.memory_space<semaphore_mem>>
      %dma_start3A_750 = arith.constant 0 : i32
      %dma_start3A_751 = tpu.memref_slice %arg4[%arg0, %add3A_748, %dma_start3A_750] : memref<2x1152x144xf32, #tpu.memory_space<hbm>> -> memref<1x72x144xf32, #tpu.memory_space<hbm>>
      %dma_start3A_752 = tpu.memref_squeeze %dma_start3A_751 : memref<1x72x144xf32, #tpu.memory_space<hbm>> -> memref<72x144xf32, #tpu.memory_space<hbm>>
      %dma_start3A_753 = arith.constant 0 : i32
      %dma_start3A_754 = tpu.memref_slice %arg9[%add3A_746, %dma_start3A_753] : memref<1152x144xf32, #tpu.memory_space<vmem_shared>> -> memref<72x144xf32, #tpu.memory_space<vmem_shared>>
      tpu.enqueue_dma source(%dma_start3A_754 : memref<72x144xf32, #tpu.memory_space<vmem_shared>>) target(%dma_start3A_752 : memref<72x144xf32, #tpu.memory_space<hbm>>) target_semaphore(%run_scoped3A_749 : memref<!tpu.dma_semaphore, #tpu.memory_space<semaphore_mem>>)
      %dma_wait3A_755 = arith.constant 0 : i32
      %dma_wait3A_756 = tpu.memref_slice %arg4[%arg0, %add3A_748, %dma_wait3A_755] : memref<2x1152x144xf32, #tpu.memory_space<hbm>> -> memref<1x72x144xf32, #tpu.memory_space<hbm>>
      %dma_wait3A_757 = tpu.memref_squeeze %dma_wait3A_756 : memref<1x72x144xf32, #tpu.memory_space<hbm>> -> memref<72x144xf32, #tpu.memory_space<hbm>>
      %dma_wait3A_758 = arith.constant 0 : i32
      %dma_wait3A_759 = tpu.memref_slice %arg9[%add3A_746, %dma_wait3A_758] : memref<1152x144xf32, #tpu.memory_space<vmem_shared>> -> memref<72x144xf32, #tpu.memory_space<vmem_shared>>
      tpu.wait_dma2 semaphore(%run_scoped3A_749 : memref<!tpu.dma_semaphore, #tpu.memory_space<semaphore_mem>>) src(%dma_wait3A_759 : memref<72x144xf32, #tpu.memory_space<vmem_shared>>) dst(%dma_wait3A_757 : memref<72x144xf32, #tpu.memory_space<hbm>>)
      tpu.yield
    }) : () -> ()
    return
  }
}

module attributes {stable_mosaic.version = 14 : i64} {
  func.func @_tc1_body(%arg0: memref<2x1152x144xf32, #tpu.memory_space<vmem>>, %arg1: memref<1024x128xf32, #tpu.memory_space<vmem>>, %arg2: memref<128x128xf32, #tpu.memory_space<vmem>>, %arg3: memref<1x128xf32, #tpu.memory_space<vmem>>, %arg4: memref<128x128xf32, #tpu.memory_space<vmem>>, %arg5: memref<1024x144xf32, #tpu.memory_space<vmem>>) attributes {dimension_semantics = [], scalar_prefetch = 0 : i64, scratch_operands = 0 : i64, tpu.core_type = #tpu.core_type<tc>} {
    %get3A = arith.constant 0 : index
    %get3A_0 = arith.constant 0 : index
    %get3A_1 = arith.constant 0 : index
    %get3A_2 = vector.load %arg0[%get3A, %get3A_0, %get3A_1] : memref<2x1152x144xf32, #tpu.memory_space<vmem>>, vector<1x1024x144xf32>
    %get3A_3 = vector.shape_cast %get3A_2 : vector<1x1024x144xf32> to vector<1024x144xf32>
    %get3A_4 = arith.constant 1 : index
    %get3A_5 = arith.constant 0 : index
    %get3A_6 = arith.constant 0 : index
    %get3A_7 = vector.load %arg0[%get3A_4, %get3A_5, %get3A_6] : memref<2x1152x144xf32, #tpu.memory_space<vmem>>, vector<1x1024x144xf32>
    %get3A_8 = vector.shape_cast %get3A_7 : vector<1x1024x144xf32> to vector<1024x144xf32>
    %add3A = arith.addf %get3A_3, %get3A_8 : vector<1024x144xf32>
    %slice3A = vector.extract_strided_slice %add3A {offsets = [0, 128], sizes = [1024, 1], strides = [1, 1]} : vector<1024x144xf32> to vector<1024x1xf32>
    %slice3A_9 = vector.extract_strided_slice %add3A {offsets = [0, 0], sizes = [1024, 128], strides = [1, 1]} : vector<1024x144xf32> to vector<1024x128xf32>
    %max3A = arith.constant 1.000000e+00 : f32
    %max3A_10 = vector.broadcast %max3A : f32 to vector<1024x1xf32>
    %max3A_11 = arith.maximumf %slice3A, %max3A_10 : vector<1024x1xf32>
    %div3A = vector.broadcast %max3A_11 : vector<1024x1xf32> to vector<1024x128xf32>
    %div3A_12 = arith.divf %slice3A_9, %div3A : vector<1024x128xf32>
    %get3A_13 = arith.constant 0 : index
    %get3A_14 = arith.constant 0 : index
    %get3A_15 = vector.load %arg2[%get3A_13, %get3A_14] : memref<128x128xf32, #tpu.memory_space<vmem>>, vector<128x128xf32>
    %dot_general3A = arith.constant dense<0.000000e+00> : vector<1024x128xf32>
    %dot_general3A_16 = tpu.matmul %div3A_12, %get3A_15, %dot_general3A {dimension_numbers = #tpu.dot_dimension_numbers<[1], [0], [0], [1], [0, 0, 1, 1], [], []>, transpose_lhs_hint = false} : vector<1024x128xf32>, vector<128x128xf32>, vector<1024x128xf32> -> vector<1024x128xf32>
    %get3A_17 = arith.constant 0 : index
    %get3A_18 = arith.constant 0 : index
    %get3A_19 = vector.load %arg3[%get3A_17, %get3A_18] : memref<1x128xf32, #tpu.memory_space<vmem>>, vector<1x128xf32>
    %add3A_20 = vector.broadcast %get3A_19 : vector<1x128xf32> to vector<1024x128xf32>
    %add3A_21 = arith.addf %dot_general3A_16, %add3A_20 : vector<1024x128xf32>
    %get3A_22 = arith.constant 0 : index
    %get3A_23 = arith.constant 0 : index
    %get3A_24 = vector.load %arg1[%get3A_22, %get3A_23] : memref<1024x128xf32, #tpu.memory_space<vmem>>, vector<1024x128xf32>
    %get3A_25 = arith.constant 0 : index
    %get3A_26 = arith.constant 0 : index
    %get3A_27 = vector.load %arg4[%get3A_25, %get3A_26] : memref<128x128xf32, #tpu.memory_space<vmem>>, vector<128x128xf32>
    %dot_general3A_28 = arith.constant dense<0.000000e+00> : vector<1024x128xf32>
    %dot_general3A_29 = tpu.matmul %get3A_24, %get3A_27, %dot_general3A_28 {dimension_numbers = #tpu.dot_dimension_numbers<[1], [0], [0], [1], [0, 0, 1, 1], [], []>, transpose_lhs_hint = false} : vector<1024x128xf32>, vector<128x128xf32>, vector<1024x128xf32> -> vector<1024x128xf32>
    %add3A_30 = arith.addf %add3A_21, %dot_general3A_29 : vector<1024x128xf32>
    %max3A_31 = arith.constant 0.000000e+00 : f32
    %max3A_32 = vector.broadcast %max3A_31 : f32 to vector<1024x128xf32>
    %max3A_33 = arith.maximumf %add3A_30, %max3A_32 : vector<1024x128xf32>
    %broadcast_in_dim3A = arith.constant 1.000000e+00 : f32
    %broadcast_in_dim3A_34 = vector.broadcast %broadcast_in_dim3A : f32 to vector<1024x1xf32>
    %broadcast_in_dim3A_35 = arith.constant 0.000000e+00 : f32
    %broadcast_in_dim3A_36 = vector.broadcast %broadcast_in_dim3A_35 : f32 to vector<1024x15xf32>
    %concatenate3A = tpu.concatenate %max3A_33, %broadcast_in_dim3A_34, %broadcast_in_dim3A_36 in 1 : vector<1024x128xf32>, vector<1024x1xf32>, vector<1024x15xf32> -> vector<1024x144xf32>
    %swap3A = arith.constant 0 : index
    %swap3A_37 = arith.constant 0 : index
    %swap3A_38 = vector.load %arg5[%swap3A, %swap3A_37] : memref<1024x144xf32, #tpu.memory_space<vmem>>, vector<1024x144xf32>
    tpu.vector_store %arg5[%swap3A, %swap3A_37], %concatenate3A {strides = array<i32>} : memref<1024x144xf32, #tpu.memory_space<vmem>>, vector<1024x144xf32>,
    return
  }
}

module attributes {stable_mosaic.version = 14 : i64} {
  func.func @_tc2_body(%arg0: memref<2x1024x144xf32, #tpu.memory_space<vmem>>, %arg1: memref<1024x144xf32, #tpu.memory_space<vmem>>, %arg2: memref<128x128xf32, #tpu.memory_space<vmem>>, %arg3: memref<1x128xf32, #tpu.memory_space<vmem>>, %arg4: memref<128x128xf32, #tpu.memory_space<vmem>>, %arg5: memref<1024x128xf32, #tpu.memory_space<vmem>>) attributes {dimension_semantics = [], scalar_prefetch = 0 : i64, scratch_operands = 0 : i64, tpu.core_type = #tpu.core_type<tc>} {
    %get3A = arith.constant 0 : index
    %get3A_0 = arith.constant 0 : index
    %get3A_1 = arith.constant 0 : index
    %get3A_2 = vector.load %arg0[%get3A, %get3A_0, %get3A_1] : memref<2x1024x144xf32, #tpu.memory_space<vmem>>, vector<1x1024x144xf32>
    %get3A_3 = vector.shape_cast %get3A_2 : vector<1x1024x144xf32> to vector<1024x144xf32>
    %get3A_4 = arith.constant 1 : index
    %get3A_5 = arith.constant 0 : index
    %get3A_6 = arith.constant 0 : index
    %get3A_7 = vector.load %arg0[%get3A_4, %get3A_5, %get3A_6] : memref<2x1024x144xf32, #tpu.memory_space<vmem>>, vector<1x1024x144xf32>
    %get3A_8 = vector.shape_cast %get3A_7 : vector<1x1024x144xf32> to vector<1024x144xf32>
    %add3A = arith.addf %get3A_3, %get3A_8 : vector<1024x144xf32>
    %slice3A = vector.extract_strided_slice %add3A {offsets = [0, 0], sizes = [1024, 128], strides = [1, 1]} : vector<1024x144xf32> to vector<1024x128xf32>
    %slice3A_9 = vector.extract_strided_slice %add3A {offsets = [0, 128], sizes = [1024, 1], strides = [1, 1]} : vector<1024x144xf32> to vector<1024x1xf32>
    %max3A = arith.constant 1.000000e+00 : f32
    %max3A_10 = vector.broadcast %max3A : f32 to vector<1024x1xf32>
    %max3A_11 = arith.maximumf %slice3A_9, %max3A_10 : vector<1024x1xf32>
    %div3A = vector.broadcast %max3A_11 : vector<1024x1xf32> to vector<1024x128xf32>
    %div3A_12 = arith.divf %slice3A, %div3A : vector<1024x128xf32>
    %get3A_13 = arith.constant 0 : index
    %get3A_14 = arith.constant 0 : index
    %get3A_15 = vector.load %arg2[%get3A_13, %get3A_14] : memref<128x128xf32, #tpu.memory_space<vmem>>, vector<128x128xf32>
    %dot_general3A = arith.constant dense<0.000000e+00> : vector<1024x128xf32>
    %dot_general3A_16 = tpu.matmul %div3A_12, %get3A_15, %dot_general3A {dimension_numbers = #tpu.dot_dimension_numbers<[1], [0], [0], [1], [0, 0, 1, 1], [], []>, transpose_lhs_hint = false} : vector<1024x128xf32>, vector<128x128xf32>, vector<1024x128xf32> -> vector<1024x128xf32>
    %get3A_17 = arith.constant 0 : index
    %get3A_18 = arith.constant 0 : index
    %get3A_19 = vector.load %arg3[%get3A_17, %get3A_18] : memref<1x128xf32, #tpu.memory_space<vmem>>, vector<1x128xf32>
    %add3A_20 = vector.broadcast %get3A_19 : vector<1x128xf32> to vector<1024x128xf32>
    %add3A_21 = arith.addf %dot_general3A_16, %add3A_20 : vector<1024x128xf32>
    %get3A_22 = arith.constant 0 : index
    %get3A_23 = arith.constant 0 : index
    %get3A_24 = vector.load %arg1[%get3A_22, %get3A_23] : memref<1024x144xf32, #tpu.memory_space<vmem>>, vector<1024x144xf32>
    %slice3A_25 = vector.extract_strided_slice %get3A_24 {offsets = [0, 0], sizes = [1024, 128], strides = [1, 1]} : vector<1024x144xf32> to vector<1024x128xf32>
    %get3A_26 = arith.constant 0 : index
    %get3A_27 = arith.constant 0 : index
    %get3A_28 = vector.load %arg4[%get3A_26, %get3A_27] : memref<128x128xf32, #tpu.memory_space<vmem>>, vector<128x128xf32>
    %dot_general3A_29 = arith.constant dense<0.000000e+00> : vector<1024x128xf32>
    %dot_general3A_30 = tpu.matmul %slice3A_25, %get3A_28, %dot_general3A_29 {dimension_numbers = #tpu.dot_dimension_numbers<[1], [0], [0], [1], [0, 0, 1, 1], [], []>, transpose_lhs_hint = false} : vector<1024x128xf32>, vector<128x128xf32>, vector<1024x128xf32> -> vector<1024x128xf32>
    %add3A_31 = arith.addf %add3A_21, %dot_general3A_30 : vector<1024x128xf32>
    %reduce_max3A = arith.constant dense<0xFF800000> : vector<1024xf32>
    %reduce_max3A_32 = vector.multi_reduction <maximumf>, %add3A_31, %reduce_max3A [1] : vector<1024x128xf32> to vector<1024xf32>
    %broadcast_in_dim3A = vector.shape_cast %reduce_max3A_32 : vector<1024xf32> to vector<1024x1xf32>
    %sub3A = vector.broadcast %broadcast_in_dim3A : vector<1024x1xf32> to vector<1024x128xf32>
    %sub3A_33 = arith.subf %add3A_31, %sub3A : vector<1024x128xf32>
    %exp3A = math.exp %sub3A_33 : vector<1024x128xf32>
    %reduce_sum3A = arith.constant dense<0.000000e+00> : vector<1024xf32>
    %reduce_sum3A_34 = vector.multi_reduction <add>, %exp3A, %reduce_sum3A [1] : vector<1024x128xf32> to vector<1024xf32>
    %broadcast_in_dim3A_35 = vector.shape_cast %reduce_sum3A_34 : vector<1024xf32> to vector<1024x1xf32>
    %log3A = math.log %broadcast_in_dim3A_35 : vector<1024x1xf32>
    %add3A_36 = arith.addf %log3A, %broadcast_in_dim3A : vector<1024x1xf32>
    %sub3A_37 = vector.broadcast %add3A_36 : vector<1024x1xf32> to vector<1024x128xf32>
    %sub3A_38 = arith.subf %add3A_31, %sub3A_37 : vector<1024x128xf32>
    %swap3A = arith.constant 0 : index
    %swap3A_39 = arith.constant 0 : index
    %swap3A_40 = vector.load %arg5[%swap3A, %swap3A_39] : memref<1024x128xf32, #tpu.memory_space<vmem>>, vector<1024x128xf32>
    tpu.vector_store %arg5[%swap3A, %swap3A_39], %sub3A_38 {strides = array<i32>} : memref<1024x128xf32, #tpu.memory_space<vmem>>, vector<1024x128xf32>,
    return
  }
}

</mosaic_0001>

<sc_bundles>
// kernel: kernel.6.cloned.1.call-start
scs
__scs_entry_jumppad:
0x0: {  	(pc) =	sbr.rel $0x88, $3  }
0x1: {  	(tag) =	ssettag $0x0;
	lr =	simm.s32 $0x1  }
0x2: {  	[smem:$0x3F98] =	sst lr;
	_ =	strace $0xD0000000  }
0x3: {  	_ = 	snop  }
0x4: {  	_ = 	snop  }
0x5: {  	_ = 	snop  }
0x6: {  	_ = 	snop  }
0x7: {  	_ = 	snop  }
__scs_overlays_trampoline_lowered:
0x8: {  	[smem:$0x3FA7] =	sst s0  }
0x9: {  	[smem:$0x3FA8] =	sst s1  }
0xa: {  	[smem:$0x3FA9] =	sst s2  }
0xb: {  	[smem:$0x3FAA] =	sst s3  }
0xc: {  	[smem:$0x3FAB] =	sst s4  }
0xd: {  	[smem:$0x3FAC] =	sst s5  }
0xe: {  	[smem:$0x3FAD] =	sst s6  }
0xf: {  	[smem:$0x3FAE] =	sst s7  }
0x10: {  	[smem:$0x3FAF] =	sst s8  }
0x11: {  	[smem:$0x3FB0] =	sst s9;
	s0 =	simm.s32 @!p0 $0x0  }
0x12: {  	s1 =	sld [smem:$0x3F96];
	s0 =	simm.s32 @p0 $0x1  }
0x13: {  	[smem:$0x3FB1] =	sst s0;
	s0 =	simm.s32 @!p1 $0x0  }
0x14: {  	s2 =	sld [smem:$0x3F95];
	s0 =	simm.s32 @p1 $0x1  }
0x15: {  	[smem:$0x3FB2] =	sst s0;
	s0 =	simm.s32 @!p2 $0x0  }
0x16: {  	s3 =	sld [smem:$0x3FDB];
	s0 =	simm.s32 @p2 $0x1  }
0x17: {  	s4 =	simm.s32 $0x1BF5;
	[smem:$0x3FB4] =	sst s0  }
0x18: {  	s0 =	sld [smem:$0x3F97];
	_ =	swait.ge [sflag:s4], $0x0  }
0x19: {  	s7 =	sld [smem:$0x3F98]  }
0x1a: {  	s8 =	sadd.s32 $0xFFFFE003, lr  }
0x1b: {  	s9 =	sadd.s32 $0xFFFFFEF7, lr;
	s5 =	simm.s32 $0xFFFFFFFF;
	p2 =	slt.u32 s8, $0xFFFFF086  }
0x1c: {  	p1 =	slt.u32 s9, $0xF7A;
	s5 =	simm.s32 @!p2 $0x0  }
0x1d: {  	s5 =	simm.s32 @p1 $0x1;
	p0 =	seq.s32 s7, s2  }
0x1e: {  	s7 =	smul.u32 @!p0 $0xF7A, s2;
	p2 =	seq.s32 @!p0 s5, $0x0  }
0x1f: {  	s9 =	smul.u32 $0xF7A, s1;
	s8 =	simm.s32 @!p0 $0x1BF5;
	p2 =	por !p2, p0  }
0x20: {  	[sflag:s8] =	ssyncset.s32 @!p0 $0xFFFFF086;
	s6 =	sadd.s32 @!p0 s3, s7;
	s7 =	simm.s32 @!p0 $0x108  }
0x21: {  	s3 =	sadd.s32 s3, s9;
	s6 =	sadd.s32 @!p0 $0x88, s6;
	s7 =	simm.s32 @p2 $0x1082  }
0x22: {  	[simem:s7], [sflag:s8] =	dma.local @!p0 [hbm:s6], $0xF7A  }
0x23: {  	s9 =	sor.u32 $0xD0000000, s2;
	s6 =	simm.s32 $0x108;
	_ =	swait.ge @!p0 [sflag:s8], $0x0  }
0x24: {  	s3 =	sadd.s32 $0x88, s3;
	s6 =	simm.s32 @!p1 $0x1082;
	[sflag:s4] =	ssyncset.s32 $0xFFFFF086  }
0x25: {  	[simem:s6], [sflag:s4] =	dma.local [hbm:s3], $0xF7A  }
0x26: {  	[smem:$0x3F98] =	sst s1;
	(tag) =	ssettag s2;
	_ =	strace s9  }
0x27: {  	s1 =	sld [smem:$0x3FA8]  }
0x28: {  	s2 =	sld [smem:$0x3FA9]  }
0x29: {  	s4 =	sld [smem:$0x3FAB]  }
0x2a: {  	p0 =	seq.s32 s5, $0x0;
	s5 =	sld [smem:$0x3FAC]  }
0x2b: {  	s6 =	sld [smem:$0x3FAD]  }
0x2c: {  	s7 =	sld [smem:$0x3FAE]  }
0x2d: {  	s3 =	simm.s32 $0x108;
	s8 =	sld [smem:$0x3FAF]  }
0x2e: {  	s3 =	simm.s32 @!p0 $0x1082;
	s9 =	sld [smem:$0x3FB0]  }
0x2f: {  	lr =	sadd.s32 s0, s3;
	s0 =	sld [smem:$0x3FA7]  }
0x30: {  	s3 =	sld [smem:$0x3FAA]  }
0x31: {  	[smem:$0x3FB3] =	sst s10  }
0x32: {  	s10 =	sld [smem:$0x3FB1];
	_ =	sdelay $0x3  }
0x33: {  	p0 =	seq.s32 s10, $0x1;
	s10 =	sld [smem:$0x3FB3];
	_ =	sdelay $0x3  }
0x34: {  	[smem:$0x3FB3] =	sst s10  }
0x35: {  	s10 =	sld [smem:$0x3FB2];
	_ =	sdelay $0x3  }
0x36: {  	p1 =	seq.s32 s10, $0x1;
	s10 =	sld [smem:$0x3FB3];
	_ =	sdelay $0x3  }
0x37: {  	[smem:$0x3FB3] =	sst s10  }
0x38: {  	s10 =	sld [smem:$0x3FB4]  }
0x39: {  	_ = 	snop;
	(pc) =	sbr.ind lr, $3  }
0x3a: {  	_ = 	snop  }
0x3b: {  	_ = 	snop  }
0x3c: {  	p2 =	seq.s32 s10, $0x1;
	s10 =	sld [smem:$0x3FB3]  }
0x3d: {  	_ =	shalt  }
0x3e: {  	_ =	shalt  }
0x3f: {  	_ =	shalt  }
0x40: {  	_ =	shalt  }
0x41: {  	_ =	shalt  }
0x42: {  	_ =	shalt  }
0x43: {  	_ =	shalt  }
0x44: {  	_ =	shalt  }
0x45: {  	_ =	shalt  }
0x46: {  	_ =	shalt  }
0x47: {  	_ =	shalt  }
0x48: {  	_ =	shalt  }
0x49: {  	_ =	shalt  }
0x4a: {  	_ =	shalt  }
0x4b: {  	_ =	shalt  }
0x4c: {  	_ =	shalt  }
0x4d: {  	_ =	shalt  }
0x4e: {  	_ =	shalt  }
0x4f: {  	_ =	shalt  }
0x50: {  	_ =	shalt  }
0x51: {  	_ =	shalt  }
0x52: {  	_ =	shalt  }
0x53: {  	_ =	shalt  }
0x54: {  	_ =	shalt  }
0x55: {  	_ =	shalt  }
0x56: {  	_ =	shalt  }
0x57: {  	_ =	shalt  }
0x58: {  	_ =	shalt  }
0x59: {  	_ =	shalt  }
0x5a: {  	_ =	shalt  }
0x5b: {  	_ =	shalt  }
0x5c: {  	_ =	shalt  }
0x5d: {  	_ =	shalt  }
0x5e: {  	_ =	shalt  }
0x5f: {  	_ =	shalt  }
0x60: {  	_ =	shalt  }
0x61: {  	_ =	shalt  }
0x62: {  	_ =	shalt  }
0x63: {  	_ =	shalt  }
0x64: {  	_ =	shalt  }
0x65: {  	_ =	shalt  }
0x66: {  	_ =	shalt  }
0x67: {  	_ =	shalt  }
0x68: {  	_ =	shalt  }
0x69: {  	_ =	shalt  }
0x6a: {  	_ =	shalt  }
0x6b: {  	_ =	shalt  }
0x6c: {  	_ =	shalt  }
0x6d: {  	_ =	shalt  }
0x6e: {  	_ =	shalt  }
0x6f: {  	_ =	shalt  }
0x70: {  	_ =	shalt  }
0x71: {  	_ =	shalt  }
0x72: {  	_ =	shalt  }
0x73: {  	_ =	shalt  }
0x74: {  	_ =	shalt  }
0x75: {  	_ =	shalt  }
0x76: {  	_ =	shalt  }
0x77: {  	_ =	shalt  }
0x78: {  	_ =	shalt  }
0x79: {  	_ =	shalt  }
0x7a: {  	_ =	shalt  }
0x7b: {  	_ =	shalt  }
0x7c: {  	_ =	shalt  }
0x7d: {  	_ =	shalt  }
0x7e: {  	_ =	shalt  }
0x7f: {  	_ =	shalt  }
0x80: {  	_ =	shalt  }
0x81: {  	_ =	shalt  }
0x82: {  	_ =	shalt  }
0x83: {  	_ =	shalt  }
0x84: {  	_ =	shalt  }
0x85: {  	_ =	shalt  }
0x86: {  	_ =	shalt  }
0x87: {  	_ =	shalt  }
.Lfunc_end0:
.L_simem_size_0:
called_computation_lowered:
.L_overlay_start_0:
0x88: {  	s2 =	sld [smem:$0x3FD9]  }
0x89: {  	s3 =	sld [smem:$0x3FFE];
	_ =	sdelay $0x1  }
0x8a: {  	s1 =	srdreg.scid  }
0x8b: {  	s0 =	sand.u32 $0x1, s1  }
0x8c: {  	s16 =	sshll.u32 s0, $0xA;
	s2 =	sadd.s32 s3, s2  }
0x8d: {  	s2 =	sadd.s32 s2, s16  }
0x8e: {  	[smem:$0x3FBF] =	sst s2  }
0x8f: {  	_ = 	snop  }
0x90: {  	(tm) =	ssettm $0x1  }
0x91: {  	s17 =	sld [smem:$0x3FFB];
	_ =	sdelay $0x3  }
0x92: {  	_ =	strace s17  }
0x93: {  	s2 =	sld [smem:$0x3FFC];
	_ =	sdelay $0x3  }
0x94: {  	_ =	strace s2  }
0x95: {  	s2 =	sld [smem:$0x3FFD];
	_ =	sdelay $0x3  }
0x96: {  	_ =	strace s2  }
0x97: {  	_ =	strace $0x8FFFFFFF  }
0x98: {  	s18 =	sld [smem:$0x3FDB];
	_ =	sdelay $0x1  }
0x99: {  	s19 =	simm.s32 $_scs_section_size  }
0x9a: {  	s4 =	simm.s32 $_size__tile_overlayer_lowered;
	s5 =	simm.s32 $_tile_overlayer_lowered  }
0x9b: {  	s22 =	simm.s32 $0x1BFF;
	s21 =	sshll.u32 s5, $0x1;
	s2 =	sadd.s32 s19, s18  }
0x9c: {  	s6 =	simm.s32 $0x0;
	s20 =	sshll.u32 s4, $0x1;
	s4 =	sadd.s32 s21, s2  }
0x9d: {  	[timem:s6], [sflag:s22] =	dma.local [hbm:s4], s20  }
0x9e: {  	_ =	swait.ge [sflag:s22], s20  }
0x9f: {  	s3 =	ssub.s32 $0x0, s20;
	[sflag:s22] =	ssyncset.done $0x0  }
0xa0: {  	[sflag:s22] =	ssyncadd.s32 s3;
	_ =	sdelay $0x1  }
0xa1: {  	s23 =	simm.s32 $0x1B8B  }
0xa2: {  	_ =	swait.ge [sflag:s23], $0x1  }
0xa3: {  	[sflag:s23] =	ssyncset.done $0x0  }
0xa4: {  	s25 =	simm.s32 $0x1B8E;
	s24 =	sld [smem:$0x3FFE];
	[sflag:s23] =	ssyncadd.s32 $0xFFFFFFFF  }
0xa5: {  	s26 =	simm.s32 $execute0_lowered;
	[smem:$0x3FD2] =	sst s25  }
0xa6: {  	s4 =	sshll.u32 s26, $0x1;
	_ =	strace $0x80000046;
	[dreg:$0x1] =	wrdreg $0xFFFFFFFF  }
0xa7: {  	s28 =	simm.s32 $_size_execute0_lowered;
	s2 =	sadd.s32 s2, s4;
	[dreg:$0x0] =	wrdreg $0x0  }
0xa8: {  	s4 =	sshll.u32 s28, $0x1;
	[dreg:$0x2] =	wrdreg s2  }
0xa9: {  	[dreg:$0x3] =	wrdreg s4  }
0xaa: {  	[dreg:$0x4] =	wrdreg $0xC0  }
0xab: {  	_ =	task [dreg:s6], $0x5FFFF  }
0xac: {  	[dreg:$0x1] =	wrdreg $0xFFFFFFFF  }
0xad: {  	[dreg:$0x0] =	wrdreg $0x60  }
0xae: {  	[dreg:$0x2] =	wrdreg s24  }
0xaf: {  	[dreg:$0x3] =	wrdreg $0xE2000  }
0xb0: {  	[dreg:$0x4] =	wrdreg $0x9  }
0xb1: {  	_ =	task.clear_ibuf [dreg:s6], $0x5FFFF;
	_ =	strace $0x90000046  }
0xb2: {  	s29 =	simm.s32 $0x9;
	_ =	strace $0x80000048  }
0xb3: {  	_ =	swait.ge [sflag:s29], $0x1  }
0xb4: {  	[sflag:s29] =	ssyncadd.s32 $0xFFFFFFFF  }
0xb5: {  	_ =	strace $0x90000048  }
0xb6: {  	_ =	sfence  }
0xb7: {  	s30 =	sld [smem:$0x0];
	_ =	sdelay $0x2  }
0xb8: {  	s31 =	sshll.u32 s1, $0xD;
	s1 =	sshrl.u32 s1, $0x2  }
0xb9: {  	s3 =	sand.u32 $0x4000, s31;
	s1 =	sadd.s32 s1, s30  }
0xba: {  	s0 =	sor.u32 s3, s0;
	s1 =	sshll.u32 s1, $0x11  }
0xbb: {  	s0 =	sor.u32 s1, s0  }
0xbc: {  	s0 =	sadd.s32 $0x8F2B, s0  }
0xbd: {  	[sflag:s0] =	ssyncadd.remote.s32 $0x1  }
0xbe: {  	_ =	sfence.sel $0xFFFF  }
0xbf: {  	[dreg:$0x0] =	wrdreg $0xFFFFFFFF;
	(pc) =	sbr.abs _section_cstart, $3  }
0xc0: {  	[dreg:$0x1] =	wrdreg $0xFFFFFFFF  }
0xc1: {  	_ =	task.clear_ibuf [dreg:s6], $0x2FFFF;
	_ =	strace $0x9FFFFFFF  }
0xc2: {  	(tm) =	ssettm $0x7FFFFFFF  }
0xc3: {  	_ =	shalt  }
tec
execute0_lowered:
.L_overlay_start_1:
0x0: {  	(tag) =	ssettag $0x1  }
0x1: {  	s5 =	rddreg [dreg:$0x0]  }
0x2: {  	s2 =	rddreg [dreg:$0x1]  }
0x3: {  	s0 =	rddreg [dreg:$0x2]  }
0x4: {  	s3 =	simm.s32 $0x0;
	s4 =	srdreg.scid;
	s1 =	stileid.u32  }
0x5: {  	s11 =	simm.s32 $0x3;
	s12 =	simm.s32 $0x2900;
	s13 =	simm.s32 $0x1  }
0x6: {  	s14 =	simm.s32 $0x80;
	s15 =	simm.s32 $0x9A00;
	s16 =	simm.s32 $0x2  }
0x7: {  	v0 =	vimm.f32 $0.0e+00;
	v1 =	vimm.s32 $0x0;
	v2 =	vlaneseq.u32;
	s17 =	simm.s32 $0x100;
	s18 =	simm.s32 $0x2980;
	s19 =	simm.s32 $0x0  }
0x8: {  	s6 =	sand.u32 $0x1, s4;
	s31 =	sshll.u32 s1, $0x1;
	s7 =	smul.u32 $0x2880, s1;
	v3 =	vor.u32 $0x28F0, v2;
	v4 =	vor.u32 $0x400, v2;
	v5 =	vor.u32 $0x10, v2  }
0x9: {  	[smem:$0x7FF] =	sst s3;
	v6 =	vor.u32 $0x410, v2;
	v7 =	vor.u32 $0x20, v2;
	v8 =	vor.u32 $0x420, v2;
	s4 =	sor.u32 s6, s31;
	s8 =	smul.u32 $0x28800, s6  }
0xa: {  	v9 =	vor.u32 $0x30, v2;
	v10 =	vor.u32 $0x430, v2;
	v11 =	vor.u32 $0x40, v2;
	_ =	strace $0x80000047;
	s6 =	ssub.s32 $0x2, s6;
	s9 =	smul.u32 $0x2800, s4  }
.Ltmp0:
0xb: {  	v12 =	vor.u32 $0x440, v2;
	v13 =	vor.u32 $0x50, v2;
	v14 =	vor.u32 $0x450, v2;
	s4 =	sadd.s32 $0x2600, s5;
	s8 =	sadd.s32 s7, s8;
	(pc) =	sbr.rel .LBB2_1-.Ltmp0, $4  }
0xc: {  	v15 =	vor.u32 $0x60, v2;
	v16 =	vor.u32 $0x460, v2;
	v17 =	vor.u32 $0x70, v2;
	s10 =	sshrl.u32 s6, $0x1;
	s9 =	sshrl.u32 s9, $0x3;
	s8 =	sshrl.u32 s8, $0x3  }
0xd: {  	v18 =	vor.u32 $0x470, v2;
	v19 =	vor.u32 $0x80, v2;
	v20 =	vor.u32 $0x90, v2;
	s10 =	ssub.s32 s6, s10;
	s9 =	sadd.s32 s9, s5;
	s8 =	sadd.s32 s8, s5  }
0xe: {  	v21 =	vor.u32 $0xA0, v2;
	v22 =	vor.u32 $0xB0, v2;
	v23 =	vor.u32 $0xC0, v2;
	s5 =	sadd.s32 s7, s2;
	s6 =	sadd.s32 $0x14600, s9;
	s7 =	sadd.s32 $0x1E600, s9  }
0xf: {  	v24 =	vor.u32 $0xD0, v2;
	v25 =	vor.u32 $0xE0, v2;
	v26 =	vor.u32 $0xF0, v2;
	s8 =	sadd.s32 $0x28600, s8;
	s9 =	smax.u32 s10, $0x1;
	s10 =	simm.s32 $0x5200  }
.LBB2_6:
0x10: {  	[spmem:s2] =	stream.indirect.scatter.add.f32 [tilespmem:s15], [sflag:$0x2], $0x90, s18, s14, $0xb8;
	[tilespmem:$0x10A80] =	vst v63  }
.LBB2_10:
0x11: {  	_ =	swait.ge [sflag:s16], $0x4800  }
0x12: {  	s20 =	sshll.u32 s1, $0x6;
	s19 =	sadd.s32 $0x1, s19;
	[sflag:s16] =	ssyncset.done $0x0  }
0x13: {  	s21 =	sshrl.u32 s5, $0x3;
	p0 =	sne.s32 s19, s9;
	[sflag:s16] =	ssyncadd.s32 $0xFFFFB800  }
.Ltmp1:
0x14: {  	s20 =	sor.u32 $0x1C03, s20;
	[bflag:$0x0] =	sbarrier.arrive $0xFFFF;
	(pc) =	sbr.rel @!p0 .LBB2_11-.Ltmp1, $4  }
0x15: {  	[hbm:s8], [sflag:s20] =	dma.local [spmem:s21], $0x510  }
0x16: {  	_ =	swait.ge [sflag:s11], $0x510  }
0x17: {  	[sflag:s11] =	ssyncset.done $0x0  }
0x18: {  	[sflag:s11] =	ssyncadd.s32 $0xFFFFFAF0  }
.LBB2_1:
0x19: {  	s20 =	simm.s32 $0x0;
	s21 =	simm.s32 $0x240  }
.LBB2_2:
0x1a: {  	p0 =	sne.s32 s21, $0x11DC0;
	[tilespmem:s20+$0x5280] =	vst v0  }
0x1b: {  	[tilespmem:s20+$0x5200] =	vst v0  }
0x1c: {  	[tilespmem:s20+$0x5210] =	vst v0  }
0x1d: {  	[tilespmem:s20+$0x5220] =	vst v0  }
.Ltmp2:
0x1e: {  	[tilespmem:s20+$0x5230] =	vst v0;
	(pc) =	sbr.rel @p0 .LBB2_2-.Ltmp2, $4  }
0x1f: {  	[tilespmem:s20+$0x5240] =	vst v0  }
0x20: {  	[tilespmem:s20+$0x5250] =	vst v0  }
0x21: {  	[tilespmem:s20+$0x5260] =	vst v0  }
0x22: {  	[tilespmem:s20+$0x5270] =	vst v0;
	s20 =	sshra.s32 s21, $0x2;
	s21 =	sadd.s32 $0x240, s21  }
0x23: {  	[tilespmem:s20+$0x5280] =	vst v0  }
0x24: {  	[tilespmem:s20+$0x5200] =	vst v0  }
0x25: {  	[tilespmem:s20+$0x5210] =	vst v0  }
0x26: {  	[tilespmem:s20+$0x5220] =	vst v0  }
0x27: {  	[tilespmem:s20+$0x5230] =	vst v0  }
0x28: {  	[tilespmem:s20+$0x5240] =	vst v0  }
0x29: {  	[tilespmem:s20+$0x5250] =	vst v0  }
0x2a: {  	[tilespmem:s20+$0x5260] =	vst v0  }
0x2b: {  	[tilespmem:s20+$0x5270] =	vst v0  }
0x2c: {  	[spmem:s5] =	stream.linear.scatter [tilespmem:s10], [sflag:$0x3], $0x2880, $0x38;
	[tilespmem:$0x10A80] =	vst v63  }
0x2d: {  	_ =	swait.ge [sflag:s11], $0x2880  }
0x2e: {  	[sflag:s11] =	ssyncset.done $0x0  }
0x2f: {  	[sflag:s11] =	ssyncadd.s32 $0xFFFFD780  }
0x30: {  	s20 =	simm.s32 $0x0;
	[bflag:$0x0] =	sbarrier.arrive $0xFFFF  }
0x31: {  	[tilespmem:s20], [sflag:$0x3] =	stream.linear.gather [hbm4b:s6+s20], $0x2800, $0x38;
	[tilespmem:$0x10A80] =	vst v63  }
0x32: {  	_ =	swait.ge [sflag:s11], $0x2800  }
0x33: {  	[sflag:s11] =	ssyncset.done $0x0  }
0x34: {  	[sflag:s11] =	ssyncadd.s32 $0xFFFFD800  }
0x35: {  	[tilespmem:s12], [sflag:$0x3] =	stream.linear.gather [hbm4b:s7+s20], $0x2800, $0x38;
	[tilespmem:$0x10A80] =	vst v63  }
0x36: {  	_ =	swait.ge [sflag:s11], $0x2800  }
0x37: {  	[sflag:s11] =	ssyncset.done $0x0  }
0x38: {  	v27 =	vimm.s32 $0x0;
	[sflag:s11] =	ssyncadd.s32 $0xFFFFD800  }
.LBB2_4:
0x39: {  	s21 =	sshra.s32 s20, $0x2  }
0x3a: {  	v28 =	vld [tilespmem:s21+$0x2900];
	_ =	sdelay $0x4  }
0x3b: {  	vm0 =	vlt.s32 v28, $0x400  }
0x3c: {  	v29 =	vsel vm0, $0x1, v1  }
0x3d: {  	(xrf0) =	vadd.scan.msk.s32 $0xffff, v29;
	_ =	sdelay $0x5  }
0x3e: {  	v29, _, _ =	vpop (xrf0)  }
0x3f: {  	v29 =	vadd.s32 v29, v27  }
0x40: {  	v29 =	vadd.s32 $0xFFFFFFFF, v29  }
0x41: {  	v30 =	vld [tilespmem:s21+$0x0];
	v29 =	vsel vm0, v29, v3;
	_ =	sdelay $0x4  }
0x42: {  	[tilespmem:v29+s3+$0x0] =	vst.idx.msk $0xffff, v30  }
0x43: {  	[tilespmem:v29+s12+$0x0] =	vst.idx.msk $0xffff, v28  }
0x44: {  	v28 =	vld [tilespmem:s21+$0x2910];
	_ =	sdelay $0x4  }
0x45: {  	vm1 =	vlt.s32 v28, $0x400  }
0x46: {  	v29 =	vsel vm1, $0x1, v1  }
0x47: {  	(xrf0) =	vadd.scan.msk.s32 $0xffff, v29;
	_ =	sdelay $0x1  }
0x48: {  	v29 =	vmpcnt.ones.xlane vm0;
	_ =	sdelay $0x3  }
0x49: {  	v27 =	vadd.s32 v27, v29;
	v29, _, _ =	vpop (xrf0)  }
0x4a: {  	v29 =	vadd.s32 v29, v27  }
0x4b: {  	v29 =	vadd.s32 $0xFFFFFFFF, v29  }
0x4c: {  	v30 =	vld [tilespmem:s21+$0x10];
	v29 =	vsel vm1, v29, v3;
	_ =	sdelay $0x4  }
0x4d: {  	[tilespmem:v29+s3+$0x0] =	vst.idx.msk $0xffff, v30  }
0x4e: {  	[tilespmem:v29+s12+$0x0] =	vst.idx.msk $0xffff, v28  }
0x4f: {  	v28 =	vld [tilespmem:s21+$0x2920];
	_ =	sdelay $0x4  }
0x50: {  	vm10 =	vlt.s32 v28, $0x400  }
0x51: {  	v29 =	vsel vm10, $0x1, v1  }
0x52: {  	(xrf0) =	vadd.scan.msk.s32 $0xffff, v29;
	_ =	sdelay $0x1  }
0x53: {  	v29 =	vmpcnt.ones.xlane vm1;
	_ =	sdelay $0x3  }
0x54: {  	v27 =	vadd.s32 v27, v29;
	v29, _, _ =	vpop (xrf0)  }
0x55: {  	v29 =	vadd.s32 v29, v27  }
0x56: {  	v29 =	vadd.s32 $0xFFFFFFFF, v29  }
0x57: {  	v30 =	vld [tilespmem:s21+$0x20];
	v29 =	vsel vm10, v29, v3;
	_ =	sdelay $0x4  }
0x58: {  	[tilespmem:v29+s3+$0x0] =	vst.idx.msk $0xffff, v30  }
0x59: {  	[tilespmem:v29+s12+$0x0] =	vst.idx.msk $0xffff, v28  }
0x5a: {  	v28 =	vld [tilespmem:s21+$0x2930];
	_ =	sdelay $0x4  }
0x5b: {  	vm11 =	vlt.s32 v28, $0x400  }
0x5c: {  	v29 =	vsel vm11, $0x1, v1  }
0x5d: {  	(xrf0) =	vadd.scan.msk.s32 $0xffff, v29;
	_ =	sdelay $0x1  }
0x5e: {  	v29 =	vmpcnt.ones.xlane vm10;
	_ =	sdelay $0x3  }
0x5f: {  	v27 =	vadd.s32 v27, v29;
	v29, _, _ =	vpop (xrf0)  }
0x60: {  	v29 =	vadd.s32 v29, v27  }
0x61: {  	v29 =	vadd.s32 $0xFFFFFFFF, v29  }
0x62: {  	v30 =	vld [tilespmem:s21+$0x30];
	v29 =	vsel vm11, v29, v3;
	_ =	sdelay $0x4  }
0x63: {  	[tilespmem:v29+s3+$0x0] =	vst.idx.msk $0xffff, v30  }
0x64: {  	[tilespmem:v29+s12+$0x0] =	vst.idx.msk $0xffff, v28  }
0x65: {  	v28 =	vld [tilespmem:s21+$0x2940];
	_ =	sdelay $0x4  }
0x66: {  	vm12 =	vlt.s32 v28, $0x400  }
0x67: {  	v29 =	vsel vm12, $0x1, v1  }
0x68: {  	(xrf0) =	vadd.scan.msk.s32 $0xffff, v29;
	_ =	sdelay $0x1  }
0x69: {  	v29 =	vmpcnt.ones.xlane vm11;
	_ =	sdelay $0x3  }
0x6a: {  	v27 =	vadd.s32 v27, v29;
	v29, _, _ =	vpop (xrf0)  }
0x6b: {  	v29 =	vadd.s32 v29, v27  }
0x6c: {  	v29 =	vadd.s32 $0xFFFFFFFF, v29  }
0x6d: {  	v30 =	vld [tilespmem:s21+$0x40];
	v29 =	vsel vm12, v29, v3;
	_ =	sdelay $0x4  }
0x6e: {  	[tilespmem:v29+s3+$0x0] =	vst.idx.msk $0xffff, v30  }
0x6f: {  	[tilespmem:v29+s12+$0x0] =	vst.idx.msk $0xffff, v28  }
0x70: {  	v28 =	vld [tilespmem:s21+$0x2950];
	_ =	sdelay $0x4  }
0x71: {  	vm13 =	vlt.s32 v28, $0x400  }
0x72: {  	v29 =	vsel vm13, $0x1, v1  }
0x73: {  	(xrf0) =	vadd.scan.msk.s32 $0xffff, v29;
	_ =	sdelay $0x1  }
0x74: {  	v29 =	vmpcnt.ones.xlane vm12;
	_ =	sdelay $0x3  }
0x75: {  	v27 =	vadd.s32 v27, v29;
	v29, _, _ =	vpop (xrf0)  }
0x76: {  	v29 =	vadd.s32 v29, v27  }
0x77: {  	v29 =	vadd.s32 $0xFFFFFFFF, v29  }
0x78: {  	v30 =	vld [tilespmem:s21+$0x50];
	v29 =	vsel vm13, v29, v3;
	_ =	sdelay $0x4  }
0x79: {  	[tilespmem:v29+s3+$0x0] =	vst.idx.msk $0xffff, v30  }
0x7a: {  	[tilespmem:v29+s12+$0x0] =	vst.idx.msk $0xffff, v28  }
0x7b: {  	v28 =	vld [tilespmem:s21+$0x2960];
	_ =	sdelay $0x4  }
0x7c: {  	vm14 =	vlt.s32 v28, $0x400  }
0x7d: {  	v29 =	vsel vm14, $0x1, v1  }
0x7e: {  	(xrf0) =	vadd.scan.msk.s32 $0xffff, v29;
	_ =	sdelay $0x1  }
0x7f: {  	v29 =	vmpcnt.ones.xlane vm13;
	_ =	sdelay $0x3  }
0x80: {  	v27 =	vadd.s32 v27, v29;
	v29, _, _ =	vpop (xrf0)  }
0x81: {  	v29 =	vadd.s32 v29, v27  }
0x82: {  	v29 =	vadd.s32 $0xFFFFFFFF, v29  }
0x83: {  	v30 =	vld [tilespmem:s21+$0x60];
	v29 =	vsel vm14, v29, v3;
	_ =	sdelay $0x4  }
0x84: {  	[tilespmem:v29+s3+$0x0] =	vst.idx.msk $0xffff, v30  }
0x85: {  	[tilespmem:v29+s12+$0x0] =	vst.idx.msk $0xffff, v28  }
0x86: {  	v28 =	vld [tilespmem:s21+$0x2970];
	_ =	sdelay $0x4  }
0x87: {  	vm15 =	vlt.s32 v28, $0x400  }
0x88: {  	v29 =	vsel vm15, $0x1, v1  }
0x89: {  	(xrf0) =	vadd.scan.msk.s32 $0xffff, v29;
	_ =	sdelay $0x1  }
0x8a: {  	v29 =	vmpcnt.ones.xlane vm14;
	_ =	sdelay $0x3  }
0x8b: {  	v27 =	vadd.s32 v27, v29;
	v29, _, _ =	vpop (xrf0)  }
0x8c: {  	v29 =	vadd.s32 v29, v27  }
0x8d: {  	v29 =	vadd.s32 $0xFFFFFFFF, v29  }
0x8e: {  	v30 =	vld [tilespmem:s21+$0x70];
	v29 =	vsel vm15, v29, v3  }
0x8f: {  	p0 =	sne.s32 s20, $0x9E00  }
.Ltmp3:
0x90: {  	_ = 	snop;
	(pc) =	sbr.rel @p0 .LBB2_4-.Ltmp3, $4  }
0x91: {  	_ = 	snop  }
0x92: {  	v31 =	vmpcnt.ones.xlane vm15  }
0x93: {  	[tilespmem:v29+s3+$0x0] =	vst.idx.msk $0xffff, v30  }
0x94: {  	s20 =	sadd.s32 $0x200, s20;
	v27 =	vadd.s32 v27, v31;
	[tilespmem:v29+s12+$0x0] =	vst.idx.msk $0xffff, v28  }
0x95: {  	(v2sf) =	vpush v27, $0x0;
	_ =	sdelay $0xc  }
0x96: {  	v27 =	vbroadcast v27, $0x0;
	_ =	sdelay $0x1  }
0x97: {  	v27 =	vadd.s32 v2, v27;
	s20 =	spop (v2sf)  }
0x98: {  	s21 =	sadd.s32 $0x10, s20  }
0x99: {  	v28 =	vadd.s32 s21, v2  }
0x9a: {  	s25 =	sadd.s32 $0x20, s20  }
0x9b: {  	v29 =	vadd.s32 s25, v2  }
0x9c: {  	[tilespmem:v27+s3+$0x0] =	vst.idx.msk $0xffff, v2;
	s26 =	sadd.s32 $0x30, s20  }
0x9d: {  	[tilespmem:v27+s12+$0x0] =	vst.idx.msk $0xffff, v4;
	v27 =	vadd.s32 s26, v2  }
0x9e: {  	s28 =	sadd.s32 $0x40, s20;
	[tilespmem:v28+s3+$0x0] =	vst.idx.msk $0xffff, v5  }
0x9f: {  	v56 =	vadd.s32 s28, v2;
	[tilespmem:v28+s12+$0x0] =	vst.idx.msk $0xffff, v6  }
0xa0: {  	s29 =	sadd.s32 $0x50, s20;
	[tilespmem:v29+s3+$0x0] =	vst.idx.msk $0xffff, v7  }
0xa1: {  	v57 =	vadd.s32 s29, v2;
	[tilespmem:v29+s12+$0x0] =	vst.idx.msk $0xffff, v8  }
0xa2: {  	s30 =	sadd.s32 $0x60, s20;
	[tilespmem:v27+s3+$0x0] =	vst.idx.msk $0xffff, v9  }
0xa3: {  	[tilespmem:v27+s12+$0x0] =	vst.idx.msk $0xffff, v10;
	v27 =	vadd.s32 s30, v2  }
0xa4: {  	s31 =	sadd.s32 $0x70, s20;
	[tilespmem:v56+s3+$0x0] =	vst.idx.msk $0xffff, v11  }
0xa5: {  	v58 =	vadd.s32 s31, v2;
	[tilespmem:v56+s12+$0x0] =	vst.idx.msk $0xffff, v12  }
0xa6: {  	s22 =	sadd.s32 $0x80, s20;
	[tilespmem:v57+s3+$0x0] =	vst.idx.msk $0xffff, v13  }
0xa7: {  	v59 =	vadd.s32 s22, v2;
	[tilespmem:v57+s12+$0x0] =	vst.idx.msk $0xffff, v14  }
0xa8: {  	s23 =	sadd.s32 $0x90, s20;
	[tilespmem:v27+s3+$0x0] =	vst.idx.msk $0xffff, v15  }
0xa9: {  	[tilespmem:v27+s12+$0x0] =	vst.idx.msk $0xffff, v16;
	v27 =	vadd.s32 s23, v2  }
0xaa: {  	s24 =	sadd.s32 $0xA0, s20;
	[tilespmem:v58+s3+$0x0] =	vst.idx.msk $0xffff, v17  }
0xab: {  	v60 =	vadd.s32 s24, v2;
	[tilespmem:v58+s12+$0x0] =	vst.idx.msk $0xffff, v18  }
0xac: {  	s25 =	sadd.s32 $0xB0, s20;
	[tilespmem:v59+s3+$0x0] =	vst.idx.msk $0xffff, v19  }
0xad: {  	v61 =	vadd.s32 s25, v2;
	[tilespmem:v59+s12+$0x0] =	vst.idx.msk $0xffff, v4  }
0xae: {  	s26 =	sadd.s32 $0xC0, s20;
	[tilespmem:v27+s3+$0x0] =	vst.idx.msk $0xffff, v20  }
0xaf: {  	[tilespmem:v27+s12+$0x0] =	vst.idx.msk $0xffff, v6;
	v27 =	vadd.s32 s26, v2  }
0xb0: {  	s28 =	sadd.s32 $0xD0, s20;
	[tilespmem:v60+s3+$0x0] =	vst.idx.msk $0xffff, v21  }
0xb1: {  	v62 =	vadd.s32 s28, v2;
	[tilespmem:v60+s12+$0x0] =	vst.idx.msk $0xffff, v8  }
0xb2: {  	s29 =	sadd.s32 $0xE0, s20;
	[tilespmem:v61+s3+$0x0] =	vst.idx.msk $0xffff, v22  }
0xb3: {  	v63 =	vadd.s32 s29, v2;
	[tilespmem:v61+s12+$0x0] =	vst.idx.msk $0xffff, v10  }
0xb4: {  	s30 =	sadd.s32 $0xF0, s20;
	[tilespmem:v27+s3+$0x0] =	vst.idx.msk $0xffff, v23  }
0xb5: {  	[tilespmem:v27+s12+$0x0] =	vst.idx.msk $0xffff, v12;
	v27 =	vadd.s32 s30, v2  }
0xb6: {  	[tilespmem:v62+s3+$0x0] =	vst.idx.msk $0xffff, v24  }
0xb7: {  	[tilespmem:v62+s12+$0x0] =	vst.idx.msk $0xffff, v14  }
0xb8: {  	[tilespmem:v63+s3+$0x0] =	vst.idx.msk $0xffff, v25  }
0xb9: {  	s20 =	sadd.s32 $0xFF, s20;
	[tilespmem:v63+s12+$0x0] =	vst.idx.msk $0xffff, v16  }
0xba: {  	s31 =	sshra.s32 s20, $0x1F;
	s22 =	sand.u32 $0xFF, s20;
	[tilespmem:v27+s3+$0x0] =	vst.idx.msk $0xffff, v26  }
0xbb: {  	p1 =	slt.s32 s20, $0x1;
	p0 =	sne.s32 s22, $0x0;
	s21 =	sshrl.u32 s31, $0x18;
	[tilespmem:v27+s12+$0x0] =	vst.idx.msk $0xffff, v18  }
0xbc: {  	[tilespmem:s10], [sflag:$0x1] =	stream.indirect.gather [hbm4b:s4+s14], $0x90, s3, s14, $0xb8;
	[tilespmem:$0x10A80] =	vst v63  }
0xbd: {  	s20 =	sadd.s32 s21, s20;
	p0 =	por !p1, !p0;
	_ =	swait.ge [sflag:s13], $0x4800  }
0xbe: {  	s21 =	simm.s32 $0x1;
	p0 =	por !p0, !p0;
	[sflag:s13] =	ssyncset.done $0x0  }
0xbf: {  	s20 =	sshra.s32 s20, $0x8;
	s21 =	simm.s32 @!p0 $0x0;
	[sflag:s13] =	ssyncadd.s32 $0xFFFFB800  }
0xc0: {  	[tilespmem:s15], [sflag:$0x1] =	stream.indirect.gather [hbm4b:s4+s14], $0x90, s14, s14, $0xb8;
	[tilespmem:$0x10A80] =	vst v63  }
0xc1: {  	s21 =	ssub.s32 s20, s21  }
0xc2: {  	[spmem:s2] =	stream.indirect.scatter.add.f32 [tilespmem:s10], [sflag:$0x2], $0x90, s12, s14, $0xb8;
	[tilespmem:$0x10A80] =	vst v63  }
0xc3: {  	p0 =	sgt.s32 s21, $0x1;
	_ =	swait.ge [sflag:s13], $0x4800  }
.Ltmp4:
0xc4: {  	[sflag:s13] =	ssyncset.done $0x0;
	(pc) =	sbr.rel @!p0 .LBB2_6-.Ltmp4, $4  }
0xc5: {  	[sflag:s13] =	ssyncadd.s32 $0xFFFFB800  }
0xc6: {  	_ =	swait.ge [sflag:s16], $0x4800  }
0xc7: {  	[sflag:s16] =	ssyncset.done $0x0  }
0xc8: {  	[sflag:s16] =	ssyncadd.s32 $0xFFFFB800  }
0xc9: {  	[tilespmem:s10], [sflag:$0x1] =	stream.indirect.gather [hbm4b:s4+s14], $0x90, s17, s14, $0xb8;
	[tilespmem:$0x10A80] =	vst v63  }
0xca: {  	_ = 	snop  }
0xcb: {  	[spmem:s2] =	stream.indirect.scatter.add.f32 [tilespmem:s15], [sflag:$0x2], $0x90, s18, s14, $0xb8;
	[tilespmem:$0x10A80] =	vst v63  }
0xcc: {  	_ =	swait.ge [sflag:s13], $0x4800  }
0xcd: {  	[sflag:s13] =	ssyncset.done $0x0  }
0xce: {  	[sflag:s13] =	ssyncadd.s32 $0xFFFFB800  }
0xcf: {  	_ =	swait.ge [sflag:s16], $0x4800  }
0xd0: {  	[sflag:s16] =	ssyncset.done $0x0  }
0xd1: {  	s20 =	simm.s32 $0x180;
	[sflag:s16] =	ssyncadd.s32 $0xFFFFB800  }
0xd2: {  	[tilespmem:s15], [sflag:$0x1] =	stream.indirect.gather [hbm4b:s4+s14], $0x90, s20, s14, $0xb8;
	[tilespmem:$0x10A80] =	vst v63  }
0xd3: {  	s21 =	sshll.u32 s21, $0x1;
	s22 =	simm.s32 $0x2A00  }
0xd4: {  	[spmem:s2] =	stream.indirect.scatter.add.f32 [tilespmem:s10], [sflag:$0x2], $0x90, s22, s14, $0xb8;
	[tilespmem:$0x10A80] =	vst v63  }
0xd5: {  	p0 =	sgt.s32 s21, $0x2;
	_ =	swait.ge [sflag:s13], $0x4800  }
0xd6: {  	s21 =	simm.s32 @!p0 $0x2;
	[sflag:s13] =	ssyncset.done $0x0  }
0xd7: {  	s23 =	sshrl.u32 s21, $0x1;
	[sflag:s13] =	ssyncadd.s32 $0xFFFFB800  }
0xd8: {  	p0 =	sle.u32 s21, $0x4;
	s23 =	sadd.s32 $0xFFFFFFFF, s23;
	_ =	swait.ge [sflag:s16], $0x4800  }
0xd9: {  	s24 =	simm.s32 @!p0 $0x200;
	s25 =	simm.s32 @!p0 $0x80;
	[sflag:s16] =	ssyncset.done $0x0  }
0xda: {  	s26 =	simm.s32 @!p0 $0x5200;
	s23 =	sadd.s32 $0xFFFFFFFF, s23;
	[sflag:s16] =	ssyncadd.s32 $0xFFFFB800  }
0xdb: {  	[tilespmem:s26], [sflag:$0x1] =	stream.indirect.gather @!p0 [hbm4b:s4+s25], $0x90, s24, s25, $0xb8;
	[tilespmem:$0x10A80] =	vst v63  }
0xdc: {  	p0 =	sne.s32 s23, $0x0  }
.Ltmp5:
0xdd: {  	_ = 	snop;
	(pc) =	sbr.rel @!p0 .LBB2_9-.Ltmp5, $2  }
0xde: {  	_ =	sdelay $0x2  }
0xdf: {  	s24 =	simm.s32 $0x6;
	s25 =	simm.s32 $0x2A80  }
.LBB2_8:
0xe0: {  	s23 =	sadd.s32 $0xFFFFFFFF, s23;
	s22 =	sadd.s32 $0x100, s22;
	s20 =	sadd.s32 $0x100, s20  }
0xe1: {  	[spmem:s2] =	stream.indirect.scatter.add.f32 [tilespmem:s15], [sflag:$0x2], $0x90, s25, s14, $0xb8;
	[tilespmem:$0x10A80] =	vst v63  }
0xe2: {  	p0 =	sne.s32 s23, $0x0;
	_ =	swait.ge [sflag:s13], $0x4800  }
0xe3: {  	[sflag:s13] =	ssyncset.done $0x0  }
0xe4: {  	[sflag:s13] =	ssyncadd.s32 $0xFFFFB800  }
0xe5: {  	_ =	swait.ge [sflag:s16], $0x4800  }
0xe6: {  	[sflag:s16] =	ssyncset.done $0x0  }
0xe7: {  	[sflag:s16] =	ssyncadd.s32 $0xFFFFB800  }
0xe8: {  	[tilespmem:s15], [sflag:$0x1] =	stream.indirect.gather [hbm4b:s4+s14], $0x90, s20, s14, $0xb8;
	[tilespmem:$0x10A80] =	vst v63  }
0xe9: {  	_ = 	snop  }
0xea: {  	[spmem:s2] =	stream.indirect.scatter.add.f32 [tilespmem:s10], [sflag:$0x2], $0x90, s22, s14, $0xb8;
	[tilespmem:$0x10A80] =	vst v63  }
0xeb: {  	_ =	swait.ge [sflag:s13], $0x4800  }
0xec: {  	[sflag:s13] =	ssyncset.done $0x0  }
.Ltmp6:
0xed: {  	[sflag:s13] =	ssyncadd.s32 $0xFFFFB800;
	(pc) =	sbr.rel @p0 .LBB2_8-.Ltmp6, $4  }
0xee: {  	p1 =	sge.u32 s24, s21;
	s24 =	sadd.s32 $0x2, s24;
	_ =	swait.ge [sflag:s16], $0x4800  }
0xef: {  	s26 =	sadd.s32 @!p1 $0x80, s20;
	s28 =	simm.s32 @!p1 $0x80;
	[sflag:s16] =	ssyncset.done $0x0  }
0xf0: {  	s29 =	simm.s32 @!p1 $0x5200;
	s25 =	sadd.s32 $0x80, s22;
	[sflag:s16] =	ssyncadd.s32 $0xFFFFB800  }
0xf1: {  	[tilespmem:s29], [sflag:$0x1] =	stream.indirect.gather @!p1 [hbm4b:s4+s28], $0x90, s26, s28, $0xb8;
	[tilespmem:$0x10A80] =	vst v63  }
.LBB2_9:
.Ltmp7:
0xf2: {  	(pc) =	sbr.rel .LBB2_10-.Ltmp7, $2  }
0xf3: {  	_ =	sdelay $0x2  }
0xf4: {  	[spmem:s2] =	stream.indirect.scatter.add.f32 [tilespmem:s15], [sflag:$0x2], $0x90, s25, s14, $0xb8;
	[tilespmem:$0x10A80] =	vst v63  }
.LBB2_11:
0xf5: {  	_ =	sfence.sel $0x180000  }
0xf6: {  	[bflag:$0x0] =	sbarrier.arrive $0xFFFF  }
0xf7: {  	p0 =	sne.s32 s1, $0x0;
	_ =	strace $0x90000047  }
0xf8: {  	s0 =	sadd.s32 @!p0 $0x100000, s0;
	[bflag:$0x2] =	sbarrier.arrive $0xFFFF  }
0xf9: {  	[sflag:s0] =	ssyncadd.tile.s32 @!p0 $0x1;
	_ =	shalt  }
.Lfunc_end2:
_tile_overlayer_lowered:
.L_overlay_start_2:
0xfa: {  	(tag) =	ssettag $0x2  }
0xfb: {  	s0 =	rddreg [dreg:$0x0];
	s2 =	stileid.u32  }
0xfc: {  	s1 =	rddreg [dreg:$0x1];
	p0 =	sne.s32 s2, $0x0  }
0xfd: {  	s3 =	rddreg [dreg:$0x2];
	[bflag:$0x3] =	sbarrier.arrive $0xFFFF;
	s2 =	simm.s32 @!p0 $0x1C03  }
0xfe: {  	[timem:s3], [sflag:s2] =	dma.local @!p0 [hbm:s0], s1  }
0xff: {  	s0 =	simm.s32 @!p0 $0x3  }
0x100: {  	_ =	swait.ge @!p0 [sflag:s0], s1  }
0x101: {  	s1 =	ssub.s32 @!p0 $0x0, s1;
	[sflag:s0] =	ssyncset.done @!p0 $0x0  }
0x102: {  	[sflag:s0] =	ssyncadd.s32 @!p0 s1  }
0x103: {  	[bflag:$0x3] =	sbarrier.arrive $0xFFFF  }
0x104: {  	_ =	shalt  }

// kernel: kernel.9.cloned.1.call-start
scs
__scs_entry_jumppad:
0x0: {  	(pc) =	sbr.rel $0x88, $3  }
0x1: {  	(tag) =	ssettag $0x0;
	lr =	simm.s32 $0x1  }
0x2: {  	[smem:$0x3F98] =	sst lr;
	_ =	strace $0xD0000000  }
0x3: {  	_ = 	snop  }
0x4: {  	_ = 	snop  }
0x5: {  	_ = 	snop  }
0x6: {  	_ = 	snop  }
0x7: {  	_ = 	snop  }
__scs_overlays_trampoline_lowered:
0x8: {  	[smem:$0x3FA7] =	sst s0  }
0x9: {  	[smem:$0x3FA8] =	sst s1  }
0xa: {  	[smem:$0x3FA9] =	sst s2  }
0xb: {  	[smem:$0x3FAA] =	sst s3  }
0xc: {  	[smem:$0x3FAB] =	sst s4  }
0xd: {  	[smem:$0x3FAC] =	sst s5  }
0xe: {  	[smem:$0x3FAD] =	sst s6  }
0xf: {  	[smem:$0x3FAE] =	sst s7  }
0x10: {  	[smem:$0x3FAF] =	sst s8  }
0x11: {  	[smem:$0x3FB0] =	sst s9;
	s0 =	simm.s32 @!p0 $0x0  }
0x12: {  	s1 =	sld [smem:$0x3F96];
	s0 =	simm.s32 @p0 $0x1  }
0x13: {  	[smem:$0x3FB1] =	sst s0;
	s0 =	simm.s32 @!p1 $0x0  }
0x14: {  	s2 =	sld [smem:$0x3F95];
	s0 =	simm.s32 @p1 $0x1  }
0x15: {  	[smem:$0x3FB2] =	sst s0;
	s0 =	simm.s32 @!p2 $0x0  }
0x16: {  	s3 =	sld [smem:$0x3FDB];
	s0 =	simm.s32 @p2 $0x1  }
0x17: {  	s4 =	simm.s32 $0x1BF5;
	[smem:$0x3FB4] =	sst s0  }
0x18: {  	s0 =	sld [smem:$0x3F97];
	_ =	swait.ge [sflag:s4], $0x0  }
0x19: {  	s7 =	sld [smem:$0x3F98]  }
0x1a: {  	s8 =	sadd.s32 $0xFFFFE003, lr  }
0x1b: {  	s9 =	sadd.s32 $0xFFFFFEF7, lr;
	s5 =	simm.s32 $0xFFFFFFFF;
	p2 =	slt.u32 s8, $0xFFFFF086  }
0x1c: {  	p1 =	slt.u32 s9, $0xF7A;
	s5 =	simm.s32 @!p2 $0x0  }
0x1d: {  	s5 =	simm.s32 @p1 $0x1;
	p0 =	seq.s32 s7, s2  }
0x1e: {  	s7 =	smul.u32 @!p0 $0xF7A, s2;
	p2 =	seq.s32 @!p0 s5, $0x0  }
0x1f: {  	s9 =	smul.u32 $0xF7A, s1;
	s8 =	simm.s32 @!p0 $0x1BF5;
	p2 =	por !p2, p0  }
0x20: {  	[sflag:s8] =	ssyncset.s32 @!p0 $0xFFFFF086;
	s6 =	sadd.s32 @!p0 s3, s7;
	s7 =	simm.s32 @!p0 $0x108  }
0x21: {  	s3 =	sadd.s32 s3, s9;
	s6 =	sadd.s32 @!p0 $0x88, s6;
	s7 =	simm.s32 @p2 $0x1082  }
0x22: {  	[simem:s7], [sflag:s8] =	dma.local @!p0 [hbm:s6], $0xF7A  }
0x23: {  	s9 =	sor.u32 $0xD0000000, s2;
	s6 =	simm.s32 $0x108;
	_ =	swait.ge @!p0 [sflag:s8], $0x0  }
0x24: {  	s3 =	sadd.s32 $0x88, s3;
	s6 =	simm.s32 @!p1 $0x1082;
	[sflag:s4] =	ssyncset.s32 $0xFFFFF086  }
0x25: {  	[simem:s6], [sflag:s4] =	dma.local [hbm:s3], $0xF7A  }
0x26: {  	[smem:$0x3F98] =	sst s1;
	(tag) =	ssettag s2;
	_ =	strace s9  }
0x27: {  	s1 =	sld [smem:$0x3FA8]  }
0x28: {  	s2 =	sld [smem:$0x3FA9]  }
0x29: {  	s4 =	sld [smem:$0x3FAB]  }
0x2a: {  	p0 =	seq.s32 s5, $0x0;
	s5 =	sld [smem:$0x3FAC]  }
0x2b: {  	s6 =	sld [smem:$0x3FAD]  }
0x2c: {  	s7 =	sld [smem:$0x3FAE]  }
0x2d: {  	s3 =	simm.s32 $0x108;
	s8 =	sld [smem:$0x3FAF]  }
0x2e: {  	s3 =	simm.s32 @!p0 $0x1082;
	s9 =	sld [smem:$0x3FB0]  }
0x2f: {  	lr =	sadd.s32 s0, s3;
	s0 =	sld [smem:$0x3FA7]  }
0x30: {  	s3 =	sld [smem:$0x3FAA]  }
0x31: {  	[smem:$0x3FB3] =	sst s10  }
0x32: {  	s10 =	sld [smem:$0x3FB1];
	_ =	sdelay $0x3  }
0x33: {  	p0 =	seq.s32 s10, $0x1;
	s10 =	sld [smem:$0x3FB3];
	_ =	sdelay $0x3  }
0x34: {  	[smem:$0x3FB3] =	sst s10  }
0x35: {  	s10 =	sld [smem:$0x3FB2];
	_ =	sdelay $0x3  }
0x36: {  	p1 =	seq.s32 s10, $0x1;
	s10 =	sld [smem:$0x3FB3];
	_ =	sdelay $0x3  }
0x37: {  	[smem:$0x3FB3] =	sst s10  }
0x38: {  	s10 =	sld [smem:$0x3FB4]  }
0x39: {  	_ = 	snop;
	(pc) =	sbr.ind lr, $3  }
0x3a: {  	_ = 	snop  }
0x3b: {  	_ = 	snop  }
0x3c: {  	p2 =	seq.s32 s10, $0x1;
	s10 =	sld [smem:$0x3FB3]  }
0x3d: {  	_ =	shalt  }
0x3e: {  	_ =	shalt  }
0x3f: {  	_ =	shalt  }
0x40: {  	_ =	shalt  }
0x41: {  	_ =	shalt  }
0x42: {  	_ =	shalt  }
0x43: {  	_ =	shalt  }
0x44: {  	_ =	shalt  }
0x45: {  	_ =	shalt  }
0x46: {  	_ =	shalt  }
0x47: {  	_ =	shalt  }
0x48: {  	_ =	shalt  }
0x49: {  	_ =	shalt  }
0x4a: {  	_ =	shalt  }
0x4b: {  	_ =	shalt  }
0x4c: {  	_ =	shalt  }
0x4d: {  	_ =	shalt  }
0x4e: {  	_ =	shalt  }
0x4f: {  	_ =	shalt  }
0x50: {  	_ =	shalt  }
0x51: {  	_ =	shalt  }
0x52: {  	_ =	shalt  }
0x53: {  	_ =	shalt  }
0x54: {  	_ =	shalt  }
0x55: {  	_ =	shalt  }
0x56: {  	_ =	shalt  }
0x57: {  	_ =	shalt  }
0x58: {  	_ =	shalt  }
0x59: {  	_ =	shalt  }
0x5a: {  	_ =	shalt  }
0x5b: {  	_ =	shalt  }
0x5c: {  	_ =	shalt  }
0x5d: {  	_ =	shalt  }
0x5e: {  	_ =	shalt  }
0x5f: {  	_ =	shalt  }
0x60: {  	_ =	shalt  }
0x61: {  	_ =	shalt  }
0x62: {  	_ =	shalt  }
0x63: {  	_ =	shalt  }
0x64: {  	_ =	shalt  }
0x65: {  	_ =	shalt  }
0x66: {  	_ =	shalt  }
0x67: {  	_ =	shalt  }
0x68: {  	_ =	shalt  }
0x69: {  	_ =	shalt  }
0x6a: {  	_ =	shalt  }
0x6b: {  	_ =	shalt  }
0x6c: {  	_ =	shalt  }
0x6d: {  	_ =	shalt  }
0x6e: {  	_ =	shalt  }
0x6f: {  	_ =	shalt  }
0x70: {  	_ =	shalt  }
0x71: {  	_ =	shalt  }
0x72: {  	_ =	shalt  }
0x73: {  	_ =	shalt  }
0x74: {  	_ =	shalt  }
0x75: {  	_ =	shalt  }
0x76: {  	_ =	shalt  }
0x77: {  	_ =	shalt  }
0x78: {  	_ =	shalt  }
0x79: {  	_ =	shalt  }
0x7a: {  	_ =	shalt  }
0x7b: {  	_ =	shalt  }
0x7c: {  	_ =	shalt  }
0x7d: {  	_ =	shalt  }
0x7e: {  	_ =	shalt  }
0x7f: {  	_ =	shalt  }
0x80: {  	_ =	shalt  }
0x81: {  	_ =	shalt  }
0x82: {  	_ =	shalt  }
0x83: {  	_ =	shalt  }
0x84: {  	_ =	shalt  }
0x85: {  	_ =	shalt  }
0x86: {  	_ =	shalt  }
0x87: {  	_ =	shalt  }
.Lfunc_end0:
.L_simem_size_0:
called_computation.1_lowered:
.L_overlay_start_0:
0x88: {  	s2 =	sld [smem:$0x3FD9]  }
0x89: {  	s3 =	sld [smem:$0x3FFE];
	_ =	sdelay $0x1  }
0x8a: {  	s1 =	srdreg.scid  }
0x8b: {  	s0 =	sand.u32 $0x1, s1  }
0x8c: {  	s16 =	sshll.u32 s0, $0xA;
	s2 =	sadd.s32 s3, s2  }
0x8d: {  	s2 =	sadd.s32 s2, s16  }
0x8e: {  	[smem:$0x3FBF] =	sst s2  }
0x8f: {  	_ = 	snop  }
0x90: {  	(tm) =	ssettm $0x1  }
0x91: {  	s17 =	sld [smem:$0x3FFB];
	_ =	sdelay $0x3  }
0x92: {  	_ =	strace s17  }
0x93: {  	s2 =	sld [smem:$0x3FFC];
	_ =	sdelay $0x3  }
0x94: {  	_ =	strace s2  }
0x95: {  	s2 =	sld [smem:$0x3FFD];
	_ =	sdelay $0x3  }
0x96: {  	_ =	strace s2  }
0x97: {  	_ =	strace $0x8FFFFFFF  }
0x98: {  	s18 =	sld [smem:$0x3FDB];
	_ =	sdelay $0x1  }
0x99: {  	s19 =	simm.s32 $_scs_section_size  }
0x9a: {  	s4 =	simm.s32 $_size__tile_overlayer_lowered;
	s5 =	simm.s32 $_tile_overlayer_lowered  }
0x9b: {  	s22 =	simm.s32 $0x1BFF;
	s21 =	sshll.u32 s5, $0x1;
	s2 =	sadd.s32 s19, s18  }
0x9c: {  	s6 =	simm.s32 $0x0;
	s20 =	sshll.u32 s4, $0x1;
	s4 =	sadd.s32 s21, s2  }
0x9d: {  	[timem:s6], [sflag:s22] =	dma.local [hbm:s4], s20  }
0x9e: {  	_ =	swait.ge [sflag:s22], s20  }
0x9f: {  	s3 =	ssub.s32 $0x0, s20;
	[sflag:s22] =	ssyncset.done $0x0  }
0xa0: {  	[sflag:s22] =	ssyncadd.s32 s3;
	_ =	sdelay $0x1  }
0xa1: {  	s23 =	simm.s32 $0x1B8B  }
0xa2: {  	_ =	swait.ge [sflag:s23], $0x1  }
0xa3: {  	[sflag:s23] =	ssyncset.done $0x0  }
0xa4: {  	s25 =	simm.s32 $0x1B8E;
	s24 =	sld [smem:$0x3FFE];
	[sflag:s23] =	ssyncadd.s32 $0xFFFFFFFF  }
0xa5: {  	s26 =	simm.s32 $execute0_lowered;
	[smem:$0x3FD2] =	sst s25  }
0xa6: {  	s4 =	sshll.u32 s26, $0x1;
	_ =	strace $0x80000049;
	[dreg:$0x1] =	wrdreg $0xFFFFFFFF  }
0xa7: {  	s28 =	simm.s32 $_size_execute0_lowered;
	s2 =	sadd.s32 s2, s4;
	[dreg:$0x0] =	wrdreg $0x0  }
0xa8: {  	s4 =	sshll.u32 s28, $0x1;
	[dreg:$0x2] =	wrdreg s2  }
0xa9: {  	[dreg:$0x3] =	wrdreg s4  }
0xaa: {  	[dreg:$0x4] =	wrdreg $0xC0  }
0xab: {  	_ =	task [dreg:s6], $0x5FFFF  }
0xac: {  	[dreg:$0x1] =	wrdreg $0xFFFFFFFF  }
0xad: {  	[dreg:$0x0] =	wrdreg $0x60  }
0xae: {  	[dreg:$0x2] =	wrdreg s24  }
0xaf: {  	[dreg:$0x3] =	wrdreg $0xB0000  }
0xb0: {  	[dreg:$0x4] =	wrdreg $0x9  }
0xb1: {  	_ =	task.clear_ibuf [dreg:s6], $0x5FFFF;
	_ =	strace $0x90000049  }
0xb2: {  	s29 =	simm.s32 $0x9;
	_ =	strace $0x8000004B  }
0xb3: {  	_ =	swait.ge [sflag:s29], $0x1  }
0xb4: {  	[sflag:s29] =	ssyncadd.s32 $0xFFFFFFFF  }
0xb5: {  	_ =	strace $0x9000004B  }
0xb6: {  	_ =	sfence  }
0xb7: {  	s30 =	sld [smem:$0x0];
	_ =	sdelay $0x2  }
0xb8: {  	s31 =	sshll.u32 s1, $0xD;
	s1 =	sshrl.u32 s1, $0x2  }
0xb9: {  	s3 =	sand.u32 $0x4000, s31;
	s1 =	sadd.s32 s1, s30  }
0xba: {  	s0 =	sor.u32 s3, s0;
	s1 =	sshll.u32 s1, $0x11  }
0xbb: {  	s0 =	sor.u32 s1, s0  }
0xbc: {  	s0 =	sadd.s32 $0x8F2B, s0  }
0xbd: {  	[sflag:s0] =	ssyncadd.remote.s32 $0x1  }
0xbe: {  	_ =	sfence.sel $0xFFFF  }
0xbf: {  	[dreg:$0x0] =	wrdreg $0xFFFFFFFF;
	(pc) =	sbr.abs _section_cstart, $3  }
0xc0: {  	[dreg:$0x1] =	wrdreg $0xFFFFFFFF  }
0xc1: {  	_ =	task.clear_ibuf [dreg:s6], $0x2FFFF;
	_ =	strace $0x9FFFFFFF  }
0xc2: {  	(tm) =	ssettm $0x7FFFFFFF  }
0xc3: {  	_ =	shalt  }
tec
execute0_lowered:
.L_overlay_start_1:
0x0: {  	(tag) =	ssettag $0x1  }
0x1: {  	s5 =	rddreg [dreg:$0x0]  }
0x2: {  	s2 =	rddreg [dreg:$0x1]  }
0x3: {  	s0 =	rddreg [dreg:$0x2]  }
0x4: {  	s4 =	srdreg.scid;
	s1 =	stileid.u32  }
0x5: {  	s3 =	simm.s32 $0x0;
	s11 =	simm.s32 $0x3;
	s12 =	simm.s32 $0x1000  }
0x6: {  	s13 =	simm.s32 $0x80;
	s14 =	simm.s32 $0x1;
	s15 =	simm.s32 $0x6800  }
0x7: {  	s16 =	simm.s32 $0x2;
	s17 =	simm.s32 $0x100;
	s18 =	simm.s32 $0x1080  }
0x8: {  	s21 =	simm.s32 $0x0;
	s6 =	sand.u32 $0x1, s4;
	s7 =	smul.u32 $0x2400, s1  }
0x9: {  	[smem:$0x7FF] =	sst s3;
	s4 =	sadd.s32 $0x2600, s5;
	s9 =	sshll.u32 s1, $0xA  }
0xa: {  	s19 =	sshll.u32 s1, $0x6;
	s8 =	smul.u32 $0x24000, s6;
	_ =	strace $0x8000004A  }
0xb: {  	s10 =	sshll.u32 s6, $0x9;
	s6 =	ssub.s32 $0x2, s6;
	s19 =	sor.u32 $0x1C03, s19  }
.Ltmp0:
0xc: {  	s9 =	sor.u32 s10, s9;
	s8 =	sadd.s32 s7, s8;
	(pc) =	sbr.rel .LBB2_1-.Ltmp0, $4  }
0xd: {  	s31 =	sshrl.u32 s6, $0x1;
	s9 =	sadd.s32 s9, s5;
	s8 =	sshrl.u32 s8, $0x3  }
0xe: {  	s10 =	ssub.s32 s6, s31;
	s6 =	sadd.s32 $0x32800, s9;
	s8 =	sadd.s32 s8, s5  }
0xf: {  	s5 =	sadd.s32 s7, s2;
	s7 =	sadd.s32 $0x36800, s9;
	s9 =	smax.u32 s10, $0x1  }
0x10: {  	v0 =	vimm.f32 $0.0e+00;
	s10 =	simm.s32 $0x2000;
	s8 =	sadd.s32 $0x6E00, s8;
	s20 =	sshrl.u32 s5, $0x3  }
.LBB2_6:
0x11: {  	[spmem:s2] =	stream.indirect.scatter.add.f32 [tilespmem:s15], [sflag:$0x2], $0x90, s24, s13, $0xb8;
	[tilespmem:$0xD400] =	vst v63  }
0x12: {  	_ =	swait.ge [sflag:s16], $0x4800  }
0x13: {  	s21 =	sadd.s32 $0x1, s21;
	[sflag:s16] =	ssyncset.done $0x0  }
0x14: {  	p0 =	sne.s32 s21, s9;
	[sflag:s16] =	ssyncadd.s32 $0xFFFFB800  }
.Ltmp1:
0x15: {  	[bflag:$0x0] =	sbarrier.arrive $0xFFFF;
	(pc) =	sbr.rel @!p0 .LBB2_7-.Ltmp1, $4  }
0x16: {  	[hbm:s8], [sflag:s19] =	dma.local [spmem:s20], $0x480  }
0x17: {  	_ =	swait.ge [sflag:s11], $0x480  }
0x18: {  	[sflag:s11] =	ssyncset.done $0x0  }
0x19: {  	[sflag:s11] =	ssyncadd.s32 $0xFFFFFB80  }
.LBB2_1:
0x1a: {  	s22 =	simm.s32 $0x0;
	s23 =	simm.s32 $0x240  }
.LBB2_2:
0x1b: {  	p0 =	sne.s32 s23, $0x11DC0;
	[tilespmem:s22+$0x2080] =	vst v0  }
0x1c: {  	[tilespmem:s22+$0x2000] =	vst v0  }
0x1d: {  	[tilespmem:s22+$0x2010] =	vst v0  }
0x1e: {  	[tilespmem:s22+$0x2020] =	vst v0  }
.Ltmp2:
0x1f: {  	[tilespmem:s22+$0x2030] =	vst v0;
	(pc) =	sbr.rel @p0 .LBB2_2-.Ltmp2, $4  }
0x20: {  	[tilespmem:s22+$0x2040] =	vst v0  }
0x21: {  	[tilespmem:s22+$0x2050] =	vst v0  }
0x22: {  	[tilespmem:s22+$0x2060] =	vst v0  }
0x23: {  	[tilespmem:s22+$0x2070] =	vst v0;
	s22 =	sshra.s32 s23, $0x2;
	s23 =	sadd.s32 $0x240, s23  }
0x24: {  	[tilespmem:s22+$0x2080] =	vst v0  }
0x25: {  	[tilespmem:s22+$0x2000] =	vst v0  }
0x26: {  	[tilespmem:s22+$0x2010] =	vst v0  }
0x27: {  	[tilespmem:s22+$0x2020] =	vst v0  }
0x28: {  	[tilespmem:s22+$0x2030] =	vst v0  }
0x29: {  	[tilespmem:s22+$0x2040] =	vst v0  }
0x2a: {  	[tilespmem:s22+$0x2050] =	vst v0  }
0x2b: {  	[tilespmem:s22+$0x2060] =	vst v0  }
0x2c: {  	[tilespmem:s22+$0x2070] =	vst v0  }
0x2d: {  	[spmem:s5] =	stream.linear.scatter [tilespmem:s10], [sflag:$0x3], $0x2400, $0x38;
	[tilespmem:$0xD400] =	vst v63  }
0x2e: {  	_ =	swait.ge [sflag:s11], $0x2400  }
0x2f: {  	[sflag:s11] =	ssyncset.done $0x0  }
0x30: {  	[sflag:s11] =	ssyncadd.s32 $0xFFFFDC00  }
0x31: {  	[bflag:$0x0] =	sbarrier.arrive $0xFFFF  }
0x32: {  	[tilespmem:s3], [sflag:$0x3] =	stream.linear.gather [hbm4b:s6+s3], $0x1000, $0x38;
	[tilespmem:$0xD400] =	vst v63  }
0x33: {  	_ =	swait.ge [sflag:s11], $0x1000  }
0x34: {  	[sflag:s11] =	ssyncset.done $0x0  }
0x35: {  	[sflag:s11] =	ssyncadd.s32 $0xFFFFF000  }
0x36: {  	[tilespmem:s12], [sflag:$0x3] =	stream.linear.gather [hbm4b:s7+s3], $0x1000, $0x38;
	[tilespmem:$0xD400] =	vst v63  }
0x37: {  	_ =	swait.ge [sflag:s11], $0x1000  }
0x38: {  	[sflag:s11] =	ssyncset.done $0x0  }
0x39: {  	[sflag:s11] =	ssyncadd.s32 $0xFFFFF000  }
0x3a: {  	[tilespmem:s10], [sflag:$0x1] =	stream.indirect.gather [hbm4b:s4+s13], $0x90, s3, s13, $0xb8;
	[tilespmem:$0xD400] =	vst v63  }
0x3b: {  	_ =	swait.ge [sflag:s14], $0x4800  }
0x3c: {  	[sflag:s14] =	ssyncset.done $0x0  }
0x3d: {  	[sflag:s14] =	ssyncadd.s32 $0xFFFFB800  }
0x3e: {  	[tilespmem:s15], [sflag:$0x1] =	stream.indirect.gather [hbm4b:s4+s13], $0x90, s13, s13, $0xb8;
	[tilespmem:$0xD400] =	vst v63  }
0x3f: {  	_ = 	snop  }
0x40: {  	[spmem:s2] =	stream.indirect.scatter.add.f32 [tilespmem:s10], [sflag:$0x2], $0x90, s12, s13, $0xb8;
	[tilespmem:$0xD400] =	vst v63  }
0x41: {  	_ =	swait.ge [sflag:s14], $0x4800  }
0x42: {  	[sflag:s14] =	ssyncset.done $0x0  }
0x43: {  	[sflag:s14] =	ssyncadd.s32 $0xFFFFB800  }
0x44: {  	_ =	swait.ge [sflag:s16], $0x4800  }
0x45: {  	[sflag:s16] =	ssyncset.done $0x0  }
0x46: {  	[sflag:s16] =	ssyncadd.s32 $0xFFFFB800  }
0x47: {  	[tilespmem:s10], [sflag:$0x1] =	stream.indirect.gather [hbm4b:s4+s13], $0x90, s17, s13, $0xb8;
	[tilespmem:$0xD400] =	vst v63  }
0x48: {  	s22 =	simm.s32 $0xFFFFC800  }
0x49: {  	[spmem:s2] =	stream.indirect.scatter.add.f32 [tilespmem:s15], [sflag:$0x2], $0x90, s18, s13, $0xb8;
	[tilespmem:$0xD400] =	vst v63  }
.LBB2_4:
0x4a: {  	_ =	swait.ge [sflag:s14], $0x4800  }
0x4b: {  	[sflag:s14] =	ssyncset.done $0x0  }
0x4c: {  	[sflag:s14] =	ssyncadd.s32 $0xFFFFB800  }
0x4d: {  	_ =	swait.ge [sflag:s16], $0x4800  }
0x4e: {  	s23 =	sshra.s32 s22, $0x2;
	[sflag:s16] =	ssyncset.done $0x0  }
0x4f: {  	s24 =	sadd.s32 $0xF80, s23;
	[sflag:s16] =	ssyncadd.s32 $0xFFFFB800  }
0x50: {  	[tilespmem:s15], [sflag:$0x1] =	stream.indirect.gather [hbm4b:s4+s13], $0x90, s24, s13, $0xb8;
	[tilespmem:$0xD400] =	vst v63  }
0x51: {  	s31 =	sadd.s32 $0x1F00, s23  }
0x52: {  	[spmem:s2] =	stream.indirect.scatter.add.f32 [tilespmem:s10], [sflag:$0x2], $0x90, s31, s13, $0xb8;
	[tilespmem:$0xD400] =	vst v63  }
0x53: {  	p0 =	seq.s32 s22, $0x0;
	_ =	swait.ge [sflag:s14], $0x4800  }
.Ltmp3:
0x54: {  	[sflag:s14] =	ssyncset.done $0x0;
	(pc) =	sbr.rel @p0 .LBB2_6-.Ltmp3, $4  }
0x55: {  	[sflag:s14] =	ssyncadd.s32 $0xFFFFB800  }
0x56: {  	_ =	swait.ge [sflag:s16], $0x4800  }
0x57: {  	[sflag:s16] =	ssyncset.done $0x0  }
0x58: {  	s24 =	sadd.s32 $0x1F80, s23;
	[sflag:s16] =	ssyncadd.s32 $0xFFFFB800  }
.Ltmp4:
0x59: {  	(pc) =	sbr.rel .LBB2_4-.Ltmp4, $4  }
0x5a: {  	s23 =	sadd.s32 $0x1000, s23  }
0x5b: {  	[tilespmem:s10], [sflag:$0x1] =	stream.indirect.gather [hbm4b:s4+s13], $0x90, s23, s13, $0xb8;
	[tilespmem:$0xD400] =	vst v63  }
0x5c: {  	s22 =	sadd.s32 $0x400, s22  }
0x5d: {  	[spmem:s2] =	stream.indirect.scatter.add.f32 [tilespmem:s15], [sflag:$0x2], $0x90, s24, s13, $0xb8;
	[tilespmem:$0xD400] =	vst v63  }
.LBB2_7:
0x5e: {  	_ =	sfence.sel $0x180000  }
0x5f: {  	[bflag:$0x0] =	sbarrier.arrive $0xFFFF  }
0x60: {  	p0 =	sne.s32 s1, $0x0;
	_ =	strace $0x9000004A  }
0x61: {  	s0 =	sadd.s32 @!p0 $0x100000, s0;
	[bflag:$0x2] =	sbarrier.arrive $0xFFFF  }
0x62: {  	[sflag:s0] =	ssyncadd.tile.s32 @!p0 $0x1;
	_ =	shalt  }
.Lfunc_end2:
_tile_overlayer_lowered:
.L_overlay_start_2:
0x63: {  	(tag) =	ssettag $0x2  }
0x64: {  	s0 =	rddreg [dreg:$0x0];
	s2 =	stileid.u32  }
0x65: {  	s1 =	rddreg [dreg:$0x1];
	p0 =	sne.s32 s2, $0x0  }
0x66: {  	s3 =	rddreg [dreg:$0x2];
	[bflag:$0x3] =	sbarrier.arrive $0xFFFF;
	s2 =	simm.s32 @!p0 $0x1C03  }
0x67: {  	[timem:s3], [sflag:s2] =	dma.local @!p0 [hbm:s0], s1  }
0x68: {  	s0 =	simm.s32 @!p0 $0x3  }
0x69: {  	_ =	swait.ge @!p0 [sflag:s0], s1  }
0x6a: {  	s1 =	ssub.s32 @!p0 $0x0, s1;
	[sflag:s0] =	ssyncset.done @!p0 $0x0  }
0x6b: {  	[sflag:s0] =	ssyncadd.s32 @!p0 s1  }
0x6c: {  	[bflag:$0x3] =	sbarrier.arrive $0xFFFF  }
0x6d: {  	_ =	shalt  }

</sc_bundles>
